<compile_context>
chip_gen: v7x
topology: tpu7x:2x2x1
jax: 0.10.2.dev20260603
libtpu: 0.0.44.dev20260713+nightly
codegen_flags: <defaults>
</compile_context>

<pallas_src>
import functools

import jax
import jax.numpy as jnp
from jax import lax
from jax.experimental import pallas as pl
from jax.experimental.pallas import tpu as pltpu
from jax.experimental.pallas import tpu_sc as plsc

B = 16384
D = 64
NC, NS = 2, 16
NW = NC * NS
BPW = B // NW
CHUNK = 128
NCHUNK = BPW // CHUNK


@functools.cache
def _make_sc_gather():
    mesh = plsc.VectorSubcoreMesh(core_axis_name="c", subcore_axis_name="s")

    @functools.partial(
        pl.kernel,
        out_type=jax.ShapeDtypeStruct((B, 2 * D), jnp.float32),
        mesh=mesh,
        scratch_types=[
            pltpu.VMEM((NCHUNK, CHUNK), jnp.int32),
            pltpu.VMEM((NCHUNK, CHUNK), jnp.int32),
            pltpu.VMEM((BPW, D), jnp.float32),
            pltpu.VMEM((BPW, D), jnp.float32),
            pltpu.SemaphoreType.DMA,
            pltpu.SemaphoreType.DMA,
            pltpu.SemaphoreType.DMA,
            pltpu.SemaphoreType.DMA,
        ],
        compiler_params=pltpu.CompilerParams(use_tc_tiling_on_sc=False),
    )
    def sc_gather(user_tbl, item_tbl, uid, iid, out,
                  uidx, iidx, urows, irows, dsem, usem, isem, wsem):
        wid = lax.axis_index("s") * NC + lax.axis_index("c")
        base = wid * BPW
        idxc = []
        for j in range(NCHUNK):
            idxc.append(pltpu.async_copy(
                uid.at[pl.ds(base + j * CHUNK, CHUNK)], uidx.at[j], dsem))
            idxc.append(pltpu.async_copy(
                iid.at[pl.ds(base + j * CHUNK, CHUNK)], iidx.at[j], dsem))
        for c in idxc:
            c.wait()
        ucopies = []
        icopies = []
        for j in range(NCHUNK):
            dst = pl.ds(j * CHUNK, CHUNK)
            ucopies.append(pltpu.async_copy(user_tbl.at[uidx.at[j]], urows.at[dst], usem))
            icopies.append(pltpu.async_copy(item_tbl.at[iidx.at[j]], irows.at[dst], isem))
        for c in ucopies:
            c.wait()
        rows = pl.ds(base, BPW)
        wu = pltpu.async_copy(urows, out.at[rows, pl.ds(0, D)], wsem)
        for c in icopies:
            c.wait()
        wi = pltpu.async_copy(irows, out.at[rows, pl.ds(D, D)], wsem)
        wu.wait()
        wi.wait()

    return sc_gather


BS = 8192
OROWS = BS // 128


def _mlp_body(x, w1t, b1, w2t, b2, w3t, b3, out):
    xb = x[:].astype(jnp.bfloat16)
    h = lax.dot_general(xb, w1t[:].astype(jnp.bfloat16), (((1,), (1,)), ((), ())),
                        preferred_element_type=jnp.float32)
    h = jnp.maximum(h + b1[:], 0.0).astype(jnp.bfloat16)
    h = lax.dot_general(h, w2t[:].astype(jnp.bfloat16), (((1,), (1,)), ((), ())),
                        preferred_element_type=jnp.float32)
    h = jnp.maximum(h + b2[:], 0.0)
    ot = lax.dot_general(w3t[:], h, (((1,), (1,)), ((), ())),
                         preferred_element_type=jnp.float32) + b3[:]
    for r in range(OROWS):
        out[r:r + 1, :] = ot[:, r * 128:(r + 1) * 128]


_mlp_call = pl.pallas_call(
    _mlp_body,
    grid=(B // BS,),
    in_specs=[
        pl.BlockSpec((BS, 2 * D), lambda i: (i, 0)),
        pl.BlockSpec((D, 2 * D), lambda i: (0, 0)),
        pl.BlockSpec((1, D), lambda i: (0, 0)),
        pl.BlockSpec((32, D), lambda i: (0, 0)),
        pl.BlockSpec((1, 32), lambda i: (0, 0)),
        pl.BlockSpec((1, 32), lambda i: (0, 0)),
        pl.BlockSpec((1, 1), lambda i: (0, 0)),
    ],
    out_specs=pl.BlockSpec((OROWS, 128), lambda i: (i, 0)),
    out_shape=jax.ShapeDtypeStruct((B // 128, 128), jnp.float32),
    compiler_params=pltpu.CompilerParams(dimension_semantics=("parallel",)),
)


def kernel(user_id, item_id, user_table, item_table, W1, b1, W2, b2, W3, b3):
    uid = user_id.astype(jnp.int32)
    iid = item_id.astype(jnp.int32)
    xcat = _make_sc_gather()(user_table, item_table, uid, iid)
    outp = _mlp_call(xcat, W1.T, b1.reshape(1, D), W2.T, b2.reshape(1, 32),
                     W3.reshape(1, 32), b3.reshape(1, 1))
    return outp.reshape(B, 1)

# --- scband reference (transcript-rebuilt; emitter-appended) ---
"""Pipeline reference for scband-rec-sys-model-44573170598362 (READ-ONLY COPY).

The authoritative reference and input builder live on the scoring server;
editing this copy changes nothing except your own understanding.
"""

import jax, jax.numpy as jnp
import numpy as np

B = 16384
NUM_USERS = 6040
NUM_ITEMS = 3706
EMBED_DIM = 64

def setup_inputs(seed: int = 0) -> dict:
    key = jax.random.key(seed)
    ks = jax.random.split(key, 10)
    user_id = jax.random.randint(ks[0], (B,), 0, NUM_USERS, dtype=jnp.int64 if jax.config.jax_enable_x64 else jnp.int32)
    item_id = jax.random.randint(ks[1], (B,), 0, NUM_ITEMS, dtype=jnp.int64 if jax.config.jax_enable_x64 else jnp.int32)
    user_table = jax.random.normal(ks[2], (NUM_USERS, EMBED_DIM), dtype=jnp.float32) * 0.02
    item_table = jax.random.normal(ks[3], (NUM_ITEMS, EMBED_DIM), dtype=jnp.float32) * 0.02
    W1 = jax.random.normal(ks[4], (2 * EMBED_DIM, 64), dtype=jnp.float32) * 0.05
    b1 = jnp.zeros((64,), dtype=jnp.float32)
    W2 = jax.random.normal(ks[5], (64, 32), dtype=jnp.float32) * 0.05
    b2 = jnp.zeros((32,), dtype=jnp.float32)
    W3 = jax.random.normal(ks[6], (32, 1), dtype=jnp.float32) * 0.05
    b3 = jnp.zeros((1,), dtype=jnp.float32)
    return {"user_id": user_id, "item_id": item_id, "user_table": user_table, "item_table": item_table, "W1": W1, "b1": b1, "W2": W2, "b2": b2, "W3": W3, "b3": b3}

def reference(user_id, item_id, user_table, item_table, W1, b1, W2, b2, W3, b3):
    # EmbeddingBagCollection lookup (one index per bag -> plain row gather)
    user_emb = jnp.take(user_table, user_id, axis=0)
    item_emb = jnp.take(item_table, item_id, axis=0)
    interaction = jnp.concatenate([user_emb, item_emb], axis=1)
    # MLPInteraction: Linear(128->64)+ReLU, Linear(64->32)+ReLU, Linear(32->1)
    h = jax.nn.relu(interaction @ W1 + b1)
    h = jax.nn.relu(h @ W2 + b2)
    out = h @ W3 + b3
    return out

if __name__ == "__main__":
    import jax
    _d = setup_inputs()
    print(jax.jit(kernel)(*tuple(_d.values())))

</pallas_src>

<mosaic_0001>
#map = affine_map<(d0, d1) -> (0, 0)>
#map1 = affine_map<(d0, d1) -> (0)>
module attributes {stable_mosaic.version = 14 : i64} {
  func.func @sc_gather(%arg0: i32, %arg1: i32, %arg2: memref<6040x64xf32, #tpu.memory_space<hbm>>, %arg3: memref<3706x64xf32, #tpu.memory_space<hbm>>, %arg4: memref<16384xi32, #tpu.memory_space<hbm>>, %arg5: memref<16384xi32, #tpu.memory_space<hbm>>, %arg6: memref<16384x128xf32, #tpu.memory_space<hbm>>, %arg7: memref<4x128xi32, #tpu.memory_space<vmem>>, %arg8: memref<4x128xi32, #tpu.memory_space<vmem>>, %arg9: memref<512x64xf32, #tpu.memory_space<vmem>>, %arg10: memref<512x64xf32, #tpu.memory_space<vmem>>, %arg11: memref<!tpu.dma_semaphore, #tpu.memory_space<semaphore_mem>>, %arg12: memref<!tpu.dma_semaphore, #tpu.memory_space<semaphore_mem>>, %arg13: memref<!tpu.dma_semaphore, #tpu.memory_space<semaphore_mem>>, %arg14: memref<!tpu.dma_semaphore, #tpu.memory_space<semaphore_mem>>) attributes {dimension_semantics = [#tpu.dimension_semantics<core_parallel>, #tpu.dimension_semantics<subcore_parallel>], iteration_bounds = array<i64: 2, 16>, scalar_prefetch = 0 : i64, scratch_operands = 8 : i64, tpu.core_type = #tpu.core_type<sc_vector_subcore>, window_params = [{transform_indices = #map}, {transform_indices = #map}, {transform_indices = #map1}, {transform_indices = #map1}, {transform_indices = #map}]} {
    %mul3A = arith.constant 2 : i32
    %mul3A_0 = arith.muli %arg1, %mul3A : i32
    %add3A = arith.addi %mul3A_0, %arg0 : i32
    %mul3A_1 = arith.constant 512 : i32
    %mul3A_2 = arith.muli %add3A, %mul3A_1 : i32
    %add3A_3 = arith.constant 0 : i32
    %add3A_4 = arith.addi %mul3A_2, %add3A_3 : i32
    %dma_start3A = arith.constant 0 : i32
    %dma_start3A_5 = arith.constant 0 : i32
    %dma_start3A_6 = tpu.memref_slice %arg7[%dma_start3A, %dma_start3A_5] : memref<4x128xi32, #tpu.memory_space<vmem>> -> memref<1x128xi32, #tpu.memory_space<vmem>>
    %dma_start3A_7 = tpu.memref_squeeze %dma_start3A_6 : memref<1x128xi32, #tpu.memory_space<vmem>> -> memref<128xi32, #tpu.memory_space<vmem>>
    %dma_start3A_8 = tpu.memref_slice %arg4[%add3A_4] : memref<16384xi32, #tpu.memory_space<hbm>> -> memref<128xi32, #tpu.memory_space<hbm>>
    %dma_start3A_9 = arith.constant 0 : i32
    %dma_start3A_10 = tpu.memref_slice %arg7[%dma_start3A, %dma_start3A_9] : memref<4x128xi32, #tpu.memory_space<vmem>> -> memref<1x128xi32, #tpu.memory_space<vmem>>
    %dma_start3A_11 = tpu.memref_squeeze %dma_start3A_10 : memref<1x128xi32, #tpu.memory_space<vmem>> -> memref<128xi32, #tpu.memory_space<vmem>>
    %dma_start3A_12 = tpu.memref_slice %arg4[%add3A_4] : memref<16384xi32, #tpu.memory_space<hbm>> -> memref<128xi32, #tpu.memory_space<hbm>>
    tpu.enqueue_dma source(%dma_start3A_12 : memref<128xi32, #tpu.memory_space<hbm>>) target(%dma_start3A_11 : memref<128xi32, #tpu.memory_space<vmem>>) target_semaphore(%arg11 : memref<!tpu.dma_semaphore, #tpu.memory_space<semaphore_mem>>)
    %add3A_13 = arith.constant 0 : i32
    %add3A_14 = arith.addi %mul3A_2, %add3A_13 : i32
    %dma_start3A_15 = arith.constant 0 : i32
    %dma_start3A_16 = arith.constant 0 : i32
    %dma_start3A_17 = tpu.memref_slice %arg8[%dma_start3A_15, %dma_start3A_16] : memref<4x128xi32, #tpu.memory_space<vmem>> -> memref<1x128xi32, #tpu.memory_space<vmem>>
    %dma_start3A_18 = tpu.memref_squeeze %dma_start3A_17 : memref<1x128xi32, #tpu.memory_space<vmem>> -> memref<128xi32, #tpu.memory_space<vmem>>
    %dma_start3A_19 = tpu.memref_slice %arg5[%add3A_14] : memref<16384xi32, #tpu.memory_space<hbm>> -> memref<128xi32, #tpu.memory_space<hbm>>
    %dma_start3A_20 = arith.constant 0 : i32
    %dma_start3A_21 = tpu.memref_slice %arg8[%dma_start3A_15, %dma_start3A_20] : memref<4x128xi32, #tpu.memory_space<vmem>> -> memref<1x128xi32, #tpu.memory_space<vmem>>
    %dma_start3A_22 = tpu.memref_squeeze %dma_start3A_21 : memref<1x128xi32, #tpu.memory_space<vmem>> -> memref<128xi32, #tpu.memory_space<vmem>>
    %dma_start3A_23 = tpu.memref_slice %arg5[%add3A_14] : memref<16384xi32, #tpu.memory_space<hbm>> -> memref<128xi32, #tpu.memory_space<hbm>>
    tpu.enqueue_dma source(%dma_start3A_23 : memref<128xi32, #tpu.memory_space<hbm>>) target(%dma_start3A_22 : memref<128xi32, #tpu.memory_space<vmem>>) target_semaphore(%arg11 : memref<!tpu.dma_semaphore, #tpu.memory_space<semaphore_mem>>)
    %add3A_24 = arith.constant 128 : i32
    %add3A_25 = arith.addi %mul3A_2, %add3A_24 : i32
    %dma_start3A_26 = arith.constant 1 : i32
    %dma_start3A_27 = arith.constant 0 : i32
    %dma_start3A_28 = tpu.memref_slice %arg7[%dma_start3A_26, %dma_start3A_27] : memref<4x128xi32, #tpu.memory_space<vmem>> -> memref<1x128xi32, #tpu.memory_space<vmem>>
    %dma_start3A_29 = tpu.memref_squeeze %dma_start3A_28 : memref<1x128xi32, #tpu.memory_space<vmem>> -> memref<128xi32, #tpu.memory_space<vmem>>
    %dma_start3A_30 = tpu.memref_slice %arg4[%add3A_25] : memref<16384xi32, #tpu.memory_space<hbm>> -> memref<128xi32, #tpu.memory_space<hbm>>
    %dma_start3A_31 = arith.constant 0 : i32
    %dma_start3A_32 = tpu.memref_slice %arg7[%dma_start3A_26, %dma_start3A_31] : memref<4x128xi32, #tpu.memory_space<vmem>> -> memref<1x128xi32, #tpu.memory_space<vmem>>
    %dma_start3A_33 = tpu.memref_squeeze %dma_start3A_32 : memref<1x128xi32, #tpu.memory_space<vmem>> -> memref<128xi32, #tpu.memory_space<vmem>>
    %dma_start3A_34 = tpu.memref_slice %arg4[%add3A_25] : memref<16384xi32, #tpu.memory_space<hbm>> -> memref<128xi32, #tpu.memory_space<hbm>>
    tpu.enqueue_dma source(%dma_start3A_34 : memref<128xi32, #tpu.memory_space<hbm>>) target(%dma_start3A_33 : memref<128xi32, #tpu.memory_space<vmem>>) target_semaphore(%arg11 : memref<!tpu.dma_semaphore, #tpu.memory_space<semaphore_mem>>)
    %add3A_35 = arith.constant 128 : i32
    %add3A_36 = arith.addi %mul3A_2, %add3A_35 : i32
    %dma_start3A_37 = arith.constant 1 : i32
    %dma_start3A_38 = arith.constant 0 : i32
    %dma_start3A_39 = tpu.memref_slice %arg8[%dma_start3A_37, %dma_start3A_38] : memref<4x128xi32, #tpu.memory_space<vmem>> -> memref<1x128xi32, #tpu.memory_space<vmem>>
    %dma_start3A_40 = tpu.memref_squeeze %dma_start3A_39 : memref<1x128xi32, #tpu.memory_space<vmem>> -> memref<128xi32, #tpu.memory_space<vmem>>
    %dma_start3A_41 = tpu.memref_slice %arg5[%add3A_36] : memref<16384xi32, #tpu.memory_space<hbm>> -> memref<128xi32, #tpu.memory_space<hbm>>
    %dma_start3A_42 = arith.constant 0 : i32
    %dma_start3A_43 = tpu.memref_slice %arg8[%dma_start3A_37, %dma_start3A_42] : memref<4x128xi32, #tpu.memory_space<vmem>> -> memref<1x128xi32, #tpu.memory_space<vmem>>
    %dma_start3A_44 = tpu.memref_squeeze %dma_start3A_43 : memref<1x128xi32, #tpu.memory_space<vmem>> -> memref<128xi32, #tpu.memory_space<vmem>>
    %dma_start3A_45 = tpu.memref_slice %arg5[%add3A_36] : memref<16384xi32, #tpu.memory_space<hbm>> -> memref<128xi32, #tpu.memory_space<hbm>>
    tpu.enqueue_dma source(%dma_start3A_45 : memref<128xi32, #tpu.memory_space<hbm>>) target(%dma_start3A_44 : memref<128xi32, #tpu.memory_space<vmem>>) target_semaphore(%arg11 : memref<!tpu.dma_semaphore, #tpu.memory_space<semaphore_mem>>)
    %add3A_46 = arith.constant 256 : i32
    %add3A_47 = arith.addi %mul3A_2, %add3A_46 : i32
    %dma_start3A_48 = arith.constant 2 : i32
    %dma_start3A_49 = arith.constant 0 : i32
    %dma_start3A_50 = tpu.memref_slice %arg7[%dma_start3A_48, %dma_start3A_49] : memref<4x128xi32, #tpu.memory_space<vmem>> -> memref<1x128xi32, #tpu.memory_space<vmem>>
    %dma_start3A_51 = tpu.memref_squeeze %dma_start3A_50 : memref<1x128xi32, #tpu.memory_space<vmem>> -> memref<128xi32, #tpu.memory_space<vmem>>
    %dma_start3A_52 = tpu.memref_slice %arg4[%add3A_47] : memref<16384xi32, #tpu.memory_space<hbm>> -> memref<128xi32, #tpu.memory_space<hbm>>
    %dma_start3A_53 = arith.constant 0 : i32
    %dma_start3A_54 = tpu.memref_slice %arg7[%dma_start3A_48, %dma_start3A_53] : memref<4x128xi32, #tpu.memory_space<vmem>> -> memref<1x128xi32, #tpu.memory_space<vmem>>
    %dma_start3A_55 = tpu.memref_squeeze %dma_start3A_54 : memref<1x128xi32, #tpu.memory_space<vmem>> -> memref<128xi32, #tpu.memory_space<vmem>>
    %dma_start3A_56 = tpu.memref_slice %arg4[%add3A_47] : memref<16384xi32, #tpu.memory_space<hbm>> -> memref<128xi32, #tpu.memory_space<hbm>>
    tpu.enqueue_dma source(%dma_start3A_56 : memref<128xi32, #tpu.memory_space<hbm>>) target(%dma_start3A_55 : memref<128xi32, #tpu.memory_space<vmem>>) target_semaphore(%arg11 : memref<!tpu.dma_semaphore, #tpu.memory_space<semaphore_mem>>)
    %add3A_57 = arith.constant 256 : i32
    %add3A_58 = arith.addi %mul3A_2, %add3A_57 : i32
    %dma_start3A_59 = arith.constant 2 : i32
    %dma_start3A_60 = arith.constant 0 : i32
    %dma_start3A_61 = tpu.memref_slice %arg8[%dma_start3A_59, %dma_start3A_60] : memref<4x128xi32, #tpu.memory_space<vmem>> -> memref<1x128xi32, #tpu.memory_space<vmem>>
    %dma_start3A_62 = tpu.memref_squeeze %dma_start3A_61 : memref<1x128xi32, #tpu.memory_space<vmem>> -> memref<128xi32, #tpu.memory_space<vmem>>
    %dma_start3A_63 = tpu.memref_slice %arg5[%add3A_58] : memref<16384xi32, #tpu.memory_space<hbm>> -> memref<128xi32, #tpu.memory_space<hbm>>
    %dma_start3A_64 = arith.constant 0 : i32
    %dma_start3A_65 = tpu.memref_slice %arg8[%dma_start3A_59, %dma_start3A_64] : memref<4x128xi32, #tpu.memory_space<vmem>> -> memref<1x128xi32, #tpu.memory_space<vmem>>
    %dma_start3A_66 = tpu.memref_squeeze %dma_start3A_65 : memref<1x128xi32, #tpu.memory_space<vmem>> -> memref<128xi32, #tpu.memory_space<vmem>>
    %dma_start3A_67 = tpu.memref_slice %arg5[%add3A_58] : memref<16384xi32, #tpu.memory_space<hbm>> -> memref<128xi32, #tpu.memory_space<hbm>>
    tpu.enqueue_dma source(%dma_start3A_67 : memref<128xi32, #tpu.memory_space<hbm>>) target(%dma_start3A_66 : memref<128xi32, #tpu.memory_space<vmem>>) target_semaphore(%arg11 : memref<!tpu.dma_semaphore, #tpu.memory_space<semaphore_mem>>)
    %add3A_68 = arith.constant 384 : i32
    %add3A_69 = arith.addi %mul3A_2, %add3A_68 : i32
    %dma_start3A_70 = arith.constant 3 : i32
    %dma_start3A_71 = arith.constant 0 : i32
    %dma_start3A_72 = tpu.memref_slice %arg7[%dma_start3A_70, %dma_start3A_71] : memref<4x128xi32, #tpu.memory_space<vmem>> -> memref<1x128xi32, #tpu.memory_space<vmem>>
    %dma_start3A_73 = tpu.memref_squeeze %dma_start3A_72 : memref<1x128xi32, #tpu.memory_space<vmem>> -> memref<128xi32, #tpu.memory_space<vmem>>
    %dma_start3A_74 = tpu.memref_slice %arg4[%add3A_69] : memref<16384xi32, #tpu.memory_space<hbm>> -> memref<128xi32, #tpu.memory_space<hbm>>
    %dma_start3A_75 = arith.constant 0 : i32
    %dma_start3A_76 = tpu.memref_slice %arg7[%dma_start3A_70, %dma_start3A_75] : memref<4x128xi32, #tpu.memory_space<vmem>> -> memref<1x128xi32, #tpu.memory_space<vmem>>
    %dma_start3A_77 = tpu.memref_squeeze %dma_start3A_76 : memref<1x128xi32, #tpu.memory_space<vmem>> -> memref<128xi32, #tpu.memory_space<vmem>>
    %dma_start3A_78 = tpu.memref_slice %arg4[%add3A_69] : memref<16384xi32, #tpu.memory_space<hbm>> -> memref<128xi32, #tpu.memory_space<hbm>>
    tpu.enqueue_dma source(%dma_start3A_78 : memref<128xi32, #tpu.memory_space<hbm>>) target(%dma_start3A_77 : memref<128xi32, #tpu.memory_space<vmem>>) target_semaphore(%arg11 : memref<!tpu.dma_semaphore, #tpu.memory_space<semaphore_mem>>)
    %add3A_79 = arith.constant 384 : i32
    %add3A_80 = arith.addi %mul3A_2, %add3A_79 : i32
    %dma_start3A_81 = arith.constant 3 : i32
    %dma_start3A_82 = arith.constant 0 : i32
    %dma_start3A_83 = tpu.memref_slice %arg8[%dma_start3A_81, %dma_start3A_82] : memref<4x128xi32, #tpu.memory_space<vmem>> -> memref<1x128xi32, #tpu.memory_space<vmem>>
    %dma_start3A_84 = tpu.memref_squeeze %dma_start3A_83 : memref<1x128xi32, #tpu.memory_space<vmem>> -> memref<128xi32, #tpu.memory_space<vmem>>
    %dma_start3A_85 = tpu.memref_slice %arg5[%add3A_80] : memref<16384xi32, #tpu.memory_space<hbm>> -> memref<128xi32, #tpu.memory_space<hbm>>
    %dma_start3A_86 = arith.constant 0 : i32
    %dma_start3A_87 = tpu.memref_slice %arg8[%dma_start3A_81, %dma_start3A_86] : memref<4x128xi32, #tpu.memory_space<vmem>> -> memref<1x128xi32, #tpu.memory_space<vmem>>
    %dma_start3A_88 = tpu.memref_squeeze %dma_start3A_87 : memref<1x128xi32, #tpu.memory_space<vmem>> -> memref<128xi32, #tpu.memory_space<vmem>>
    %dma_start3A_89 = tpu.memref_slice %arg5[%add3A_80] : memref<16384xi32, #tpu.memory_space<hbm>> -> memref<128xi32, #tpu.memory_space<hbm>>
    tpu.enqueue_dma source(%dma_start3A_89 : memref<128xi32, #tpu.memory_space<hbm>>) target(%dma_start3A_88 : memref<128xi32, #tpu.memory_space<vmem>>) target_semaphore(%arg11 : memref<!tpu.dma_semaphore, #tpu.memory_space<semaphore_mem>>)
    %dma_wait3A = arith.constant 0 : i32
    %dma_wait3A_90 = arith.constant 0 : i32
    %dma_wait3A_91 = tpu.memref_slice %arg7[%dma_wait3A, %dma_wait3A_90] : memref<4x128xi32, #tpu.memory_space<vmem>> -> memref<1x128xi32, #tpu.memory_space<vmem>>
    %dma_wait3A_92 = tpu.memref_squeeze %dma_wait3A_91 : memref<1x128xi32, #tpu.memory_space<vmem>> -> memref<128xi32, #tpu.memory_space<vmem>>
    %dma_wait3A_93 = tpu.memref_slice %arg4[%add3A_4] : memref<16384xi32, #tpu.memory_space<hbm>> -> memref<128xi32, #tpu.memory_space<hbm>>
    %dma_wait3A_94 = arith.constant 0 : i32
    %dma_wait3A_95 = tpu.memref_slice %arg7[%dma_wait3A, %dma_wait3A_94] : memref<4x128xi32, #tpu.memory_space<vmem>> -> memref<1x128xi32, #tpu.memory_space<vmem>>
    %dma_wait3A_96 = tpu.memref_squeeze %dma_wait3A_95 : memref<1x128xi32, #tpu.memory_space<vmem>> -> memref<128xi32, #tpu.memory_space<vmem>>
    %dma_wait3A_97 = tpu.memref_slice %arg4[%add3A_4] : memref<16384xi32, #tpu.memory_space<hbm>> -> memref<128xi32, #tpu.memory_space<hbm>>
    tpu.wait_dma2 semaphore(%arg11 : memref<!tpu.dma_semaphore, #tpu.memory_space<semaphore_mem>>) src(%dma_wait3A_97 : memref<128xi32, #tpu.memory_space<hbm>>) dst(%dma_wait3A_96 : memref<128xi32, #tpu.memory_space<vmem>>)
    %dma_wait3A_98 = arith.constant 0 : i32
    %dma_wait3A_99 = arith.constant 0 : i32
    %dma_wait3A_100 = tpu.memref_slice %arg8[%dma_wait3A_98, %dma_wait3A_99] : memref<4x128xi32, #tpu.memory_space<vmem>> -> memref<1x128xi32, #tpu.memory_space<vmem>>
    %dma_wait3A_101 = tpu.memref_squeeze %dma_wait3A_100 : memref<1x128xi32, #tpu.memory_space<vmem>> -> memref<128xi32, #tpu.memory_space<vmem>>
    %dma_wait3A_102 = tpu.memref_slice %arg5[%add3A_14] : memref<16384xi32, #tpu.memory_space<hbm>> -> memref<128xi32, #tpu.memory_space<hbm>>
    %dma_wait3A_103 = arith.constant 0 : i32
    %dma_wait3A_104 = tpu.memref_slice %arg8[%dma_wait3A_98, %dma_wait3A_103] : memref<4x128xi32, #tpu.memory_space<vmem>> -> memref<1x128xi32, #tpu.memory_space<vmem>>
    %dma_wait3A_105 = tpu.memref_squeeze %dma_wait3A_104 : memref<1x128xi32, #tpu.memory_space<vmem>> -> memref<128xi32, #tpu.memory_space<vmem>>
    %dma_wait3A_106 = tpu.memref_slice %arg5[%add3A_14] : memref<16384xi32, #tpu.memory_space<hbm>> -> memref<128xi32, #tpu.memory_space<hbm>>
    tpu.wait_dma2 semaphore(%arg11 : memref<!tpu.dma_semaphore, #tpu.memory_space<semaphore_mem>>) src(%dma_wait3A_106 : memref<128xi32, #tpu.memory_space<hbm>>) dst(%dma_wait3A_105 : memref<128xi32, #tpu.memory_space<vmem>>)
    %dma_wait3A_107 = arith.constant 1 : i32
    %dma_wait3A_108 = arith.constant 0 : i32
    %dma_wait3A_109 = tpu.memref_slice %arg7[%dma_wait3A_107, %dma_wait3A_108] : memref<4x128xi32, #tpu.memory_space<vmem>> -> memref<1x128xi32, #tpu.memory_space<vmem>>
    %dma_wait3A_110 = tpu.memref_squeeze %dma_wait3A_109 : memref<1x128xi32, #tpu.memory_space<vmem>> -> memref<128xi32, #tpu.memory_space<vmem>>
    %dma_wait3A_111 = tpu.memref_slice %arg4[%add3A_25] : memref<16384xi32, #tpu.memory_space<hbm>> -> memref<128xi32, #tpu.memory_space<hbm>>
    %dma_wait3A_112 = arith.constant 0 : i32
    %dma_wait3A_113 = tpu.memref_slice %arg7[%dma_wait3A_107, %dma_wait3A_112] : memref<4x128xi32, #tpu.memory_space<vmem>> -> memref<1x128xi32, #tpu.memory_space<vmem>>
    %dma_wait3A_114 = tpu.memref_squeeze %dma_wait3A_113 : memref<1x128xi32, #tpu.memory_space<vmem>> -> memref<128xi32, #tpu.memory_space<vmem>>
    %dma_wait3A_115 = tpu.memref_slice %arg4[%add3A_25] : memref<16384xi32, #tpu.memory_space<hbm>> -> memref<128xi32, #tpu.memory_space<hbm>>
    tpu.wait_dma2 semaphore(%arg11 : memref<!tpu.dma_semaphore, #tpu.memory_space<semaphore_mem>>) src(%dma_wait3A_115 : memref<128xi32, #tpu.memory_space<hbm>>) dst(%dma_wait3A_114 : memref<128xi32, #tpu.memory_space<vmem>>)
    %dma_wait3A_116 = arith.constant 1 : i32
    %dma_wait3A_117 = arith.constant 0 : i32
    %dma_wait3A_118 = tpu.memref_slice %arg8[%dma_wait3A_116, %dma_wait3A_117] : memref<4x128xi32, #tpu.memory_space<vmem>> -> memref<1x128xi32, #tpu.memory_space<vmem>>
    %dma_wait3A_119 = tpu.memref_squeeze %dma_wait3A_118 : memref<1x128xi32, #tpu.memory_space<vmem>> -> memref<128xi32, #tpu.memory_space<vmem>>
    %dma_wait3A_120 = tpu.memref_slice %arg5[%add3A_36] : memref<16384xi32, #tpu.memory_space<hbm>> -> memref<128xi32, #tpu.memory_space<hbm>>
    %dma_wait3A_121 = arith.constant 0 : i32
    %dma_wait3A_122 = tpu.memref_slice %arg8[%dma_wait3A_116, %dma_wait3A_121] : memref<4x128xi32, #tpu.memory_space<vmem>> -> memref<1x128xi32, #tpu.memory_space<vmem>>
    %dma_wait3A_123 = tpu.memref_squeeze %dma_wait3A_122 : memref<1x128xi32, #tpu.memory_space<vmem>> -> memref<128xi32, #tpu.memory_space<vmem>>
    %dma_wait3A_124 = tpu.memref_slice %arg5[%add3A_36] : memref<16384xi32, #tpu.memory_space<hbm>> -> memref<128xi32, #tpu.memory_space<hbm>>
    tpu.wait_dma2 semaphore(%arg11 : memref<!tpu.dma_semaphore, #tpu.memory_space<semaphore_mem>>) src(%dma_wait3A_124 : memref<128xi32, #tpu.memory_space<hbm>>) dst(%dma_wait3A_123 : memref<128xi32, #tpu.memory_space<vmem>>)
    %dma_wait3A_125 = arith.constant 2 : i32
    %dma_wait3A_126 = arith.constant 0 : i32
    %dma_wait3A_127 = tpu.memref_slice %arg7[%dma_wait3A_125, %dma_wait3A_126] : memref<4x128xi32, #tpu.memory_space<vmem>> -> memref<1x128xi32, #tpu.memory_space<vmem>>
    %dma_wait3A_128 = tpu.memref_squeeze %dma_wait3A_127 : memref<1x128xi32, #tpu.memory_space<vmem>> -> memref<128xi32, #tpu.memory_space<vmem>>
    %dma_wait3A_129 = tpu.memref_slice %arg4[%add3A_47] : memref<16384xi32, #tpu.memory_space<hbm>> -> memref<128xi32, #tpu.memory_space<hbm>>
    %dma_wait3A_130 = arith.constant 0 : i32
    %dma_wait3A_131 = tpu.memref_slice %arg7[%dma_wait3A_125, %dma_wait3A_130] : memref<4x128xi32, #tpu.memory_space<vmem>> -> memref<1x128xi32, #tpu.memory_space<vmem>>
    %dma_wait3A_132 = tpu.memref_squeeze %dma_wait3A_131 : memref<1x128xi32, #tpu.memory_space<vmem>> -> memref<128xi32, #tpu.memory_space<vmem>>
    %dma_wait3A_133 = tpu.memref_slice %arg4[%add3A_47] : memref<16384xi32, #tpu.memory_space<hbm>> -> memref<128xi32, #tpu.memory_space<hbm>>
    tpu.wait_dma2 semaphore(%arg11 : memref<!tpu.dma_semaphore, #tpu.memory_space<semaphore_mem>>) src(%dma_wait3A_133 : memref<128xi32, #tpu.memory_space<hbm>>) dst(%dma_wait3A_132 : memref<128xi32, #tpu.memory_space<vmem>>)
    %dma_wait3A_134 = arith.constant 2 : i32
    %dma_wait3A_135 = arith.constant 0 : i32
    %dma_wait3A_136 = tpu.memref_slice %arg8[%dma_wait3A_134, %dma_wait3A_135] : memref<4x128xi32, #tpu.memory_space<vmem>> -> memref<1x128xi32, #tpu.memory_space<vmem>>
    %dma_wait3A_137 = tpu.memref_squeeze %dma_wait3A_136 : memref<1x128xi32, #tpu.memory_space<vmem>> -> memref<128xi32, #tpu.memory_space<vmem>>
    %dma_wait3A_138 = tpu.memref_slice %arg5[%add3A_58] : memref<16384xi32, #tpu.memory_space<hbm>> -> memref<128xi32, #tpu.memory_space<hbm>>
    %dma_wait3A_139 = arith.constant 0 : i32
    %dma_wait3A_140 = tpu.memref_slice %arg8[%dma_wait3A_134, %dma_wait3A_139] : memref<4x128xi32, #tpu.memory_space<vmem>> -> memref<1x128xi32, #tpu.memory_space<vmem>>
    %dma_wait3A_141 = tpu.memref_squeeze %dma_wait3A_140 : memref<1x128xi32, #tpu.memory_space<vmem>> -> memref<128xi32, #tpu.memory_space<vmem>>
    %dma_wait3A_142 = tpu.memref_slice %arg5[%add3A_58] : memref<16384xi32, #tpu.memory_space<hbm>> -> memref<128xi32, #tpu.memory_space<hbm>>
    tpu.wait_dma2 semaphore(%arg11 : memref<!tpu.dma_semaphore, #tpu.memory_space<semaphore_mem>>) src(%dma_wait3A_142 : memref<128xi32, #tpu.memory_space<hbm>>) dst(%dma_wait3A_141 : memref<128xi32, #tpu.memory_space<vmem>>)
    %dma_wait3A_143 = arith.constant 3 : i32
    %dma_wait3A_144 = arith.constant 0 : i32
    %dma_wait3A_145 = tpu.memref_slice %arg7[%dma_wait3A_143, %dma_wait3A_144] : memref<4x128xi32, #tpu.memory_space<vmem>> -> memref<1x128xi32, #tpu.memory_space<vmem>>
    %dma_wait3A_146 = tpu.memref_squeeze %dma_wait3A_145 : memref<1x128xi32, #tpu.memory_space<vmem>> -> memref<128xi32, #tpu.memory_space<vmem>>
    %dma_wait3A_147 = tpu.memref_slice %arg4[%add3A_69] : memref<16384xi32, #tpu.memory_space<hbm>> -> memref<128xi32, #tpu.memory_space<hbm>>
    %dma_wait3A_148 = arith.constant 0 : i32
    %dma_wait3A_149 = tpu.memref_slice %arg7[%dma_wait3A_143, %dma_wait3A_148] : memref<4x128xi32, #tpu.memory_space<vmem>> -> memref<1x128xi32, #tpu.memory_space<vmem>>
    %dma_wait3A_150 = tpu.memref_squeeze %dma_wait3A_149 : memref<1x128xi32, #tpu.memory_space<vmem>> -> memref<128xi32, #tpu.memory_space<vmem>>
    %dma_wait3A_151 = tpu.memref_slice %arg4[%add3A_69] : memref<16384xi32, #tpu.memory_space<hbm>> -> memref<128xi32, #tpu.memory_space<hbm>>
    tpu.wait_dma2 semaphore(%arg11 : memref<!tpu.dma_semaphore, #tpu.memory_space<semaphore_mem>>) src(%dma_wait3A_151 : memref<128xi32, #tpu.memory_space<hbm>>) dst(%dma_wait3A_150 : memref<128xi32, #tpu.memory_space<vmem>>)
    %dma_wait3A_152 = arith.constant 3 : i32
    %dma_wait3A_153 = arith.constant 0 : i32
    %dma_wait3A_154 = tpu.memref_slice %arg8[%dma_wait3A_152, %dma_wait3A_153] : memref<4x128xi32, #tpu.memory_space<vmem>> -> memref<1x128xi32, #tpu.memory_space<vmem>>
    %dma_wait3A_155 = tpu.memref_squeeze %dma_wait3A_154 : memref<1x128xi32, #tpu.memory_space<vmem>> -> memref<128xi32, #tpu.memory_space<vmem>>
    %dma_wait3A_156 = tpu.memref_slice %arg5[%add3A_80] : memref<16384xi32, #tpu.memory_space<hbm>> -> memref<128xi32, #tpu.memory_space<hbm>>
    %dma_wait3A_157 = arith.constant 0 : i32
    %dma_wait3A_158 = tpu.memref_slice %arg8[%dma_wait3A_152, %dma_wait3A_157] : memref<4x128xi32, #tpu.memory_space<vmem>> -> memref<1x128xi32, #tpu.memory_space<vmem>>
    %dma_wait3A_159 = tpu.memref_squeeze %dma_wait3A_158 : memref<1x128xi32, #tpu.memory_space<vmem>> -> memref<128xi32, #tpu.memory_space<vmem>>
    %dma_wait3A_160 = tpu.memref_slice %arg5[%add3A_80] : memref<16384xi32, #tpu.memory_space<hbm>> -> memref<128xi32, #tpu.memory_space<hbm>>
    tpu.wait_dma2 semaphore(%arg11 : memref<!tpu.dma_semaphore, #tpu.memory_space<semaphore_mem>>) src(%dma_wait3A_160 : memref<128xi32, #tpu.memory_space<hbm>>) dst(%dma_wait3A_159 : memref<128xi32, #tpu.memory_space<vmem>>)
    %dma_start3A_161 = arith.constant 0 : i32
    %dma_start3A_162 = arith.constant 0 : i32
    %dma_start3A_163 = arith.constant 0 : i32
    %dma_start3A_164 = tpu.memref_slice %arg9[%dma_start3A_162, %dma_start3A_163] : memref<512x64xf32, #tpu.memory_space<vmem>> -> memref<128x64xf32, #tpu.memory_space<vmem>>
    %dma_start3A_165 = arith.constant 0 : i32
    %dma_start3A_166 = tpu.memref_slice %arg7[%dma_start3A_161, %dma_start3A_165] : memref<4x128xi32, #tpu.memory_space<vmem>> -> memref<1x128xi32, #tpu.memory_space<vmem>>
    %dma_start3A_167 = tpu.memref_squeeze %dma_start3A_166 : memref<1x128xi32, #tpu.memory_space<vmem>> -> memref<128xi32, #tpu.memory_space<vmem>>
    %dma_start3A_168 = arith.constant 0 : i32
    %dma_start3A_169 = arith.constant 0 : i32
    %dma_start3A_170 = tpu.memref_slice %arg2[%dma_start3A_168, %dma_start3A_169] : memref<6040x64xf32, #tpu.memory_space<hbm>> -> memref<6040x64xf32, #tpu.memory_space<hbm>>
    tpu.enqueue_indirect_dma source(%dma_start3A_170 : memref<6040x64xf32, #tpu.memory_space<hbm>>) target(%dma_start3A_164 : memref<128x64xf32, #tpu.memory_space<vmem>>) offsets(%dma_start3A_167 : memref<128xi32, #tpu.memory_space<vmem>>) semaphore(%arg12 : memref<!tpu.dma_semaphore, #tpu.memory_space<semaphore_mem>>)
    %dma_start3A_171 = arith.constant 0 : i32
    %dma_start3A_172 = arith.constant 0 : i32
    %dma_start3A_173 = arith.constant 0 : i32
    %dma_start3A_174 = tpu.memref_slice %arg10[%dma_start3A_172, %dma_start3A_173] : memref<512x64xf32, #tpu.memory_space<vmem>> -> memref<128x64xf32, #tpu.memory_space<vmem>>
    %dma_start3A_175 = arith.constant 0 : i32
    %dma_start3A_176 = tpu.memref_slice %arg8[%dma_start3A_171, %dma_start3A_175] : memref<4x128xi32, #tpu.memory_space<vmem>> -> memref<1x128xi32, #tpu.memory_space<vmem>>
    %dma_start3A_177 = tpu.memref_squeeze %dma_start3A_176 : memref<1x128xi32, #tpu.memory_space<vmem>> -> memref<128xi32, #tpu.memory_space<vmem>>
    %dma_start3A_178 = arith.constant 0 : i32
    %dma_start3A_179 = arith.constant 0 : i32
    %dma_start3A_180 = tpu.memref_slice %arg3[%dma_start3A_178, %dma_start3A_179] : memref<3706x64xf32, #tpu.memory_space<hbm>> -> memref<3706x64xf32, #tpu.memory_space<hbm>>
    tpu.enqueue_indirect_dma source(%dma_start3A_180 : memref<3706x64xf32, #tpu.memory_space<hbm>>) target(%dma_start3A_174 : memref<128x64xf32, #tpu.memory_space<vmem>>) offsets(%dma_start3A_177 : memref<128xi32, #tpu.memory_space<vmem>>) semaphore(%arg13 : memref<!tpu.dma_semaphore, #tpu.memory_space<semaphore_mem>>)
    %dma_start3A_181 = arith.constant 1 : i32
    %dma_start3A_182 = arith.constant 128 : i32
    %dma_start3A_183 = arith.constant 0 : i32
    %dma_start3A_184 = tpu.memref_slice %arg9[%dma_start3A_182, %dma_start3A_183] : memref<512x64xf32, #tpu.memory_space<vmem>> -> memref<128x64xf32, #tpu.memory_space<vmem>>
    %dma_start3A_185 = arith.constant 0 : i32
    %dma_start3A_186 = tpu.memref_slice %arg7[%dma_start3A_181, %dma_start3A_185] : memref<4x128xi32, #tpu.memory_space<vmem>> -> memref<1x128xi32, #tpu.memory_space<vmem>>
    %dma_start3A_187 = tpu.memref_squeeze %dma_start3A_186 : memref<1x128xi32, #tpu.memory_space<vmem>> -> memref<128xi32, #tpu.memory_space<vmem>>
    %dma_start3A_188 = arith.constant 0 : i32
    %dma_start3A_189 = arith.constant 0 : i32
    %dma_start3A_190 = tpu.memref_slice %arg2[%dma_start3A_188, %dma_start3A_189] : memref<6040x64xf32, #tpu.memory_space<hbm>> -> memref<6040x64xf32, #tpu.memory_space<hbm>>
    tpu.enqueue_indirect_dma source(%dma_start3A_190 : memref<6040x64xf32, #tpu.memory_space<hbm>>) target(%dma_start3A_184 : memref<128x64xf32, #tpu.memory_space<vmem>>) offsets(%dma_start3A_187 : memref<128xi32, #tpu.memory_space<vmem>>) semaphore(%arg12 : memref<!tpu.dma_semaphore, #tpu.memory_space<semaphore_mem>>)
    %dma_start3A_191 = arith.constant 1 : i32
    %dma_start3A_192 = arith.constant 128 : i32
    %dma_start3A_193 = arith.constant 0 : i32
    %dma_start3A_194 = tpu.memref_slice %arg10[%dma_start3A_192, %dma_start3A_193] : memref<512x64xf32, #tpu.memory_space<vmem>> -> memref<128x64xf32, #tpu.memory_space<vmem>>
    %dma_start3A_195 = arith.constant 0 : i32
    %dma_start3A_196 = tpu.memref_slice %arg8[%dma_start3A_191, %dma_start3A_195] : memref<4x128xi32, #tpu.memory_space<vmem>> -> memref<1x128xi32, #tpu.memory_space<vmem>>
    %dma_start3A_197 = tpu.memref_squeeze %dma_start3A_196 : memref<1x128xi32, #tpu.memory_space<vmem>> -> memref<128xi32, #tpu.memory_space<vmem>>
    %dma_start3A_198 = arith.constant 0 : i32
    %dma_start3A_199 = arith.constant 0 : i32
    %dma_start3A_200 = tpu.memref_slice %arg3[%dma_start3A_198, %dma_start3A_199] : memref<3706x64xf32, #tpu.memory_space<hbm>> -> memref<3706x64xf32, #tpu.memory_space<hbm>>
    tpu.enqueue_indirect_dma source(%dma_start3A_200 : memref<3706x64xf32, #tpu.memory_space<hbm>>) target(%dma_start3A_194 : memref<128x64xf32, #tpu.memory_space<vmem>>) offsets(%dma_start3A_197 : memref<128xi32, #tpu.memory_space<vmem>>) semaphore(%arg13 : memref<!tpu.dma_semaphore, #tpu.memory_space<semaphore_mem>>)
    %dma_start3A_201 = arith.constant 2 : i32
    %dma_start3A_202 = arith.constant 256 : i32
    %dma_start3A_203 = arith.constant 0 : i32
    %dma_start3A_204 = tpu.memref_slice %arg9[%dma_start3A_202, %dma_start3A_203] : memref<512x64xf32, #tpu.memory_space<vmem>> -> memref<128x64xf32, #tpu.memory_space<vmem>>
    %dma_start3A_205 = arith.constant 0 : i32
    %dma_start3A_206 = tpu.memref_slice %arg7[%dma_start3A_201, %dma_start3A_205] : memref<4x128xi32, #tpu.memory_space<vmem>> -> memref<1x128xi32, #tpu.memory_space<vmem>>
    %dma_start3A_207 = tpu.memref_squeeze %dma_start3A_206 : memref<1x128xi32, #tpu.memory_space<vmem>> -> memref<128xi32, #tpu.memory_space<vmem>>
    %dma_start3A_208 = arith.constant 0 : i32
    %dma_start3A_209 = arith.constant 0 : i32
    %dma_start3A_210 = tpu.memref_slice %arg2[%dma_start3A_208, %dma_start3A_209] : memref<6040x64xf32, #tpu.memory_space<hbm>> -> memref<6040x64xf32, #tpu.memory_space<hbm>>
    tpu.enqueue_indirect_dma source(%dma_start3A_210 : memref<6040x64xf32, #tpu.memory_space<hbm>>) target(%dma_start3A_204 : memref<128x64xf32, #tpu.memory_space<vmem>>) offsets(%dma_start3A_207 : memref<128xi32, #tpu.memory_space<vmem>>) semaphore(%arg12 : memref<!tpu.dma_semaphore, #tpu.memory_space<semaphore_mem>>)
    %dma_start3A_211 = arith.constant 2 : i32
    %dma_start3A_212 = arith.constant 256 : i32
    %dma_start3A_213 = arith.constant 0 : i32
    %dma_start3A_214 = tpu.memref_slice %arg10[%dma_start3A_212, %dma_start3A_213] : memref<512x64xf32, #tpu.memory_space<vmem>> -> memref<128x64xf32, #tpu.memory_space<vmem>>
    %dma_start3A_215 = arith.constant 0 : i32
    %dma_start3A_216 = tpu.memref_slice %arg8[%dma_start3A_211, %dma_start3A_215] : memref<4x128xi32, #tpu.memory_space<vmem>> -> memref<1x128xi32, #tpu.memory_space<vmem>>
    %dma_start3A_217 = tpu.memref_squeeze %dma_start3A_216 : memref<1x128xi32, #tpu.memory_space<vmem>> -> memref<128xi32, #tpu.memory_space<vmem>>
    %dma_start3A_218 = arith.constant 0 : i32
    %dma_start3A_219 = arith.constant 0 : i32
    %dma_start3A_220 = tpu.memref_slice %arg3[%dma_start3A_218, %dma_start3A_219] : memref<3706x64xf32, #tpu.memory_space<hbm>> -> memref<3706x64xf32, #tpu.memory_space<hbm>>
    tpu.enqueue_indirect_dma source(%dma_start3A_220 : memref<3706x64xf32, #tpu.memory_space<hbm>>) target(%dma_start3A_214 : memref<128x64xf32, #tpu.memory_space<vmem>>) offsets(%dma_start3A_217 : memref<128xi32, #tpu.memory_space<vmem>>) semaphore(%arg13 : memref<!tpu.dma_semaphore, #tpu.memory_space<semaphore_mem>>)
    %dma_start3A_221 = arith.constant 3 : i32
    %dma_start3A_222 = arith.constant 384 : i32
    %dma_start3A_223 = arith.constant 0 : i32
    %dma_start3A_224 = tpu.memref_slice %arg9[%dma_start3A_222, %dma_start3A_223] : memref<512x64xf32, #tpu.memory_space<vmem>> -> memref<128x64xf32, #tpu.memory_space<vmem>>
    %dma_start3A_225 = arith.constant 0 : i32
    %dma_start3A_226 = tpu.memref_slice %arg7[%dma_start3A_221, %dma_start3A_225] : memref<4x128xi32, #tpu.memory_space<vmem>> -> memref<1x128xi32, #tpu.memory_space<vmem>>
    %dma_start3A_227 = tpu.memref_squeeze %dma_start3A_226 : memref<1x128xi32, #tpu.memory_space<vmem>> -> memref<128xi32, #tpu.memory_space<vmem>>
    %dma_start3A_228 = arith.constant 0 : i32
    %dma_start3A_229 = arith.constant 0 : i32
    %dma_start3A_230 = tpu.memref_slice %arg2[%dma_start3A_228, %dma_start3A_229] : memref<6040x64xf32, #tpu.memory_space<hbm>> -> memref<6040x64xf32, #tpu.memory_space<hbm>>
    tpu.enqueue_indirect_dma source(%dma_start3A_230 : memref<6040x64xf32, #tpu.memory_space<hbm>>) target(%dma_start3A_224 : memref<128x64xf32, #tpu.memory_space<vmem>>) offsets(%dma_start3A_227 : memref<128xi32, #tpu.memory_space<vmem>>) semaphore(%arg12 : memref<!tpu.dma_semaphore, #tpu.memory_space<semaphore_mem>>)
    %dma_start3A_231 = arith.constant 3 : i32
    %dma_start3A_232 = arith.constant 384 : i32
    %dma_start3A_233 = arith.constant 0 : i32
    %dma_start3A_234 = tpu.memref_slice %arg10[%dma_start3A_232, %dma_start3A_233] : memref<512x64xf32, #tpu.memory_space<vmem>> -> memref<128x64xf32, #tpu.memory_space<vmem>>
    %dma_start3A_235 = arith.constant 0 : i32
    %dma_start3A_236 = tpu.memref_slice %arg8[%dma_start3A_231, %dma_start3A_235] : memref<4x128xi32, #tpu.memory_space<vmem>> -> memref<1x128xi32, #tpu.memory_space<vmem>>
    %dma_start3A_237 = tpu.memref_squeeze %dma_start3A_236 : memref<1x128xi32, #tpu.memory_space<vmem>> -> memref<128xi32, #tpu.memory_space<vmem>>
    %dma_start3A_238 = arith.constant 0 : i32
    %dma_start3A_239 = arith.constant 0 : i32
    %dma_start3A_240 = tpu.memref_slice %arg3[%dma_start3A_238, %dma_start3A_239] : memref<3706x64xf32, #tpu.memory_space<hbm>> -> memref<3706x64xf32, #tpu.memory_space<hbm>>
    tpu.enqueue_indirect_dma source(%dma_start3A_240 : memref<3706x64xf32, #tpu.memory_space<hbm>>) target(%dma_start3A_234 : memref<128x64xf32, #tpu.memory_space<vmem>>) offsets(%dma_start3A_237 : memref<128xi32, #tpu.memory_space<vmem>>) semaphore(%arg13 : memref<!tpu.dma_semaphore, #tpu.memory_space<semaphore_mem>>)
    %dma_wait3A_241 = arith.constant 0 : i32
    %dma_wait3A_242 = arith.constant 0 : i32
    %dma_wait3A_243 = arith.constant 0 : i32
    %dma_wait3A_244 = tpu.memref_slice %arg9[%dma_wait3A_242, %dma_wait3A_243] : memref<512x64xf32, #tpu.memory_space<vmem>> -> memref<128x64xf32, #tpu.memory_space<vmem>>
    %dma_wait3A_245 = arith.constant 0 : i32
    %dma_wait3A_246 = tpu.memref_slice %arg7[%dma_wait3A_241, %dma_wait3A_245] : memref<4x128xi32, #tpu.memory_space<vmem>> -> memref<1x128xi32, #tpu.memory_space<vmem>>
    %dma_wait3A_247 = tpu.memref_squeeze %dma_wait3A_246 : memref<1x128xi32, #tpu.memory_space<vmem>> -> memref<128xi32, #tpu.memory_space<vmem>>
    %dma_wait3A_248 = arith.constant 0 : i32
    %dma_wait3A_249 = arith.constant 0 : i32
    %dma_wait3A_250 = tpu.memref_slice %arg2[%dma_wait3A_248, %dma_wait3A_249] : memref<6040x64xf32, #tpu.memory_space<hbm>> -> memref<6040x64xf32, #tpu.memory_space<hbm>>
    tpu.wait_indirect_dma semaphore(%arg12 : memref<!tpu.dma_semaphore, #tpu.memory_space<semaphore_mem>>) src(%dma_wait3A_250 : memref<6040x64xf32, #tpu.memory_space<hbm>>) dst(%dma_wait3A_244 : memref<128x64xf32, #tpu.memory_space<vmem>>)
    %dma_wait3A_251 = arith.constant 1 : i32
    %dma_wait3A_252 = arith.constant 128 : i32
    %dma_wait3A_253 = arith.constant 0 : i32
    %dma_wait3A_254 = tpu.memref_slice %arg9[%dma_wait3A_252, %dma_wait3A_253] : memref<512x64xf32, #tpu.memory_space<vmem>> -> memref<128x64xf32, #tpu.memory_space<vmem>>
    %dma_wait3A_255 = arith.constant 0 : i32
    %dma_wait3A_256 = tpu.memref_slice %arg7[%dma_wait3A_251, %dma_wait3A_255] : memref<4x128xi32, #tpu.memory_space<vmem>> -> memref<1x128xi32, #tpu.memory_space<vmem>>
    %dma_wait3A_257 = tpu.memref_squeeze %dma_wait3A_256 : memref<1x128xi32, #tpu.memory_space<vmem>> -> memref<128xi32, #tpu.memory_space<vmem>>
    %dma_wait3A_258 = arith.constant 0 : i32
    %dma_wait3A_259 = arith.constant 0 : i32
    %dma_wait3A_260 = tpu.memref_slice %arg2[%dma_wait3A_258, %dma_wait3A_259] : memref<6040x64xf32, #tpu.memory_space<hbm>> -> memref<6040x64xf32, #tpu.memory_space<hbm>>
    tpu.wait_indirect_dma semaphore(%arg12 : memref<!tpu.dma_semaphore, #tpu.memory_space<semaphore_mem>>) src(%dma_wait3A_260 : memref<6040x64xf32, #tpu.memory_space<hbm>>) dst(%dma_wait3A_254 : memref<128x64xf32, #tpu.memory_space<vmem>>)
    %dma_wait3A_261 = arith.constant 2 : i32
    %dma_wait3A_262 = arith.constant 256 : i32
    %dma_wait3A_263 = arith.constant 0 : i32
    %dma_wait3A_264 = tpu.memref_slice %arg9[%dma_wait3A_262, %dma_wait3A_263] : memref<512x64xf32, #tpu.memory_space<vmem>> -> memref<128x64xf32, #tpu.memory_space<vmem>>
    %dma_wait3A_265 = arith.constant 0 : i32
    %dma_wait3A_266 = tpu.memref_slice %arg7[%dma_wait3A_261, %dma_wait3A_265] : memref<4x128xi32, #tpu.memory_space<vmem>> -> memref<1x128xi32, #tpu.memory_space<vmem>>
    %dma_wait3A_267 = tpu.memref_squeeze %dma_wait3A_266 : memref<1x128xi32, #tpu.memory_space<vmem>> -> memref<128xi32, #tpu.memory_space<vmem>>
    %dma_wait3A_268 = arith.constant 0 : i32
    %dma_wait3A_269 = arith.constant 0 : i32
    %dma_wait3A_270 = tpu.memref_slice %arg2[%dma_wait3A_268, %dma_wait3A_269] : memref<6040x64xf32, #tpu.memory_space<hbm>> -> memref<6040x64xf32, #tpu.memory_space<hbm>>
    tpu.wait_indirect_dma semaphore(%arg12 : memref<!tpu.dma_semaphore, #tpu.memory_space<semaphore_mem>>) src(%dma_wait3A_270 : memref<6040x64xf32, #tpu.memory_space<hbm>>) dst(%dma_wait3A_264 : memref<128x64xf32, #tpu.memory_space<vmem>>)
    %dma_wait3A_271 = arith.constant 3 : i32
    %dma_wait3A_272 = arith.constant 384 : i32
    %dma_wait3A_273 = arith.constant 0 : i32
    %dma_wait3A_274 = tpu.memref_slice %arg9[%dma_wait3A_272, %dma_wait3A_273] : memref<512x64xf32, #tpu.memory_space<vmem>> -> memref<128x64xf32, #tpu.memory_space<vmem>>
    %dma_wait3A_275 = arith.constant 0 : i32
    %dma_wait3A_276 = tpu.memref_slice %arg7[%dma_wait3A_271, %dma_wait3A_275] : memref<4x128xi32, #tpu.memory_space<vmem>> -> memref<1x128xi32, #tpu.memory_space<vmem>>
    %dma_wait3A_277 = tpu.memref_squeeze %dma_wait3A_276 : memref<1x128xi32, #tpu.memory_space<vmem>> -> memref<128xi32, #tpu.memory_space<vmem>>
    %dma_wait3A_278 = arith.constant 0 : i32
    %dma_wait3A_279 = arith.constant 0 : i32
    %dma_wait3A_280 = tpu.memref_slice %arg2[%dma_wait3A_278, %dma_wait3A_279] : memref<6040x64xf32, #tpu.memory_space<hbm>> -> memref<6040x64xf32, #tpu.memory_space<hbm>>
    tpu.wait_indirect_dma semaphore(%arg12 : memref<!tpu.dma_semaphore, #tpu.memory_space<semaphore_mem>>) src(%dma_wait3A_280 : memref<6040x64xf32, #tpu.memory_space<hbm>>) dst(%dma_wait3A_274 : memref<128x64xf32, #tpu.memory_space<vmem>>)
    %dma_start3A_281 = arith.constant 0 : i32
    %dma_start3A_282 = tpu.memref_slice %arg6[%mul3A_2, %dma_start3A_281] : memref<16384x128xf32, #tpu.memory_space<hbm>> -> memref<512x64xf32, #tpu.memory_space<hbm>>
    %dma_start3A_283 = arith.constant 0 : i32
    %dma_start3A_284 = tpu.memref_slice %arg6[%mul3A_2, %dma_start3A_283] : memref<16384x128xf32, #tpu.memory_space<hbm>> -> memref<512x64xf32, #tpu.memory_space<hbm>>
    tpu.enqueue_dma source(%arg9 : memref<512x64xf32, #tpu.memory_space<vmem>>) target(%dma_start3A_284 : memref<512x64xf32, #tpu.memory_space<hbm>>) target_semaphore(%arg14 : memref<!tpu.dma_semaphore, #tpu.memory_space<semaphore_mem>>)
    %dma_wait3A_285 = arith.constant 0 : i32
    %dma_wait3A_286 = arith.constant 0 : i32
    %dma_wait3A_287 = arith.constant 0 : i32
    %dma_wait3A_288 = tpu.memref_slice %arg10[%dma_wait3A_286, %dma_wait3A_287] : memref<512x64xf32, #tpu.memory_space<vmem>> -> memref<128x64xf32, #tpu.memory_space<vmem>>
    %dma_wait3A_289 = arith.constant 0 : i32
    %dma_wait3A_290 = tpu.memref_slice %arg8[%dma_wait3A_285, %dma_wait3A_289] : memref<4x128xi32, #tpu.memory_space<vmem>> -> memref<1x128xi32, #tpu.memory_space<vmem>>
    %dma_wait3A_291 = tpu.memref_squeeze %dma_wait3A_290 : memref<1x128xi32, #tpu.memory_space<vmem>> -> memref<128xi32, #tpu.memory_space<vmem>>
    %dma_wait3A_292 = arith.constant 0 : i32
    %dma_wait3A_293 = arith.constant 0 : i32
    %dma_wait3A_294 = tpu.memref_slice %arg3[%dma_wait3A_292, %dma_wait3A_293] : memref<3706x64xf32, #tpu.memory_space<hbm>> -> memref<3706x64xf32, #tpu.memory_space<hbm>>
    tpu.wait_indirect_dma semaphore(%arg13 : memref<!tpu.dma_semaphore, #tpu.memory_space<semaphore_mem>>) src(%dma_wait3A_294 : memref<3706x64xf32, #tpu.memory_space<hbm>>) dst(%dma_wait3A_288 : memref<128x64xf32, #tpu.memory_space<vmem>>)
    %dma_wait3A_295 = arith.constant 1 : i32
    %dma_wait3A_296 = arith.constant 128 : i32
    %dma_wait3A_297 = arith.constant 0 : i32
    %dma_wait3A_298 = tpu.memref_slice %arg10[%dma_wait3A_296, %dma_wait3A_297] : memref<512x64xf32, #tpu.memory_space<vmem>> -> memref<128x64xf32, #tpu.memory_space<vmem>>
    %dma_wait3A_299 = arith.constant 0 : i32
    %dma_wait3A_300 = tpu.memref_slice %arg8[%dma_wait3A_295, %dma_wait3A_299] : memref<4x128xi32, #tpu.memory_space<vmem>> -> memref<1x128xi32, #tpu.memory_space<vmem>>
    %dma_wait3A_301 = tpu.memref_squeeze %dma_wait3A_300 : memref<1x128xi32, #tpu.memory_space<vmem>> -> memref<128xi32, #tpu.memory_space<vmem>>
    %dma_wait3A_302 = arith.constant 0 : i32
    %dma_wait3A_303 = arith.constant 0 : i32
    %dma_wait3A_304 = tpu.memref_slice %arg3[%dma_wait3A_302, %dma_wait3A_303] : memref<3706x64xf32, #tpu.memory_space<hbm>> -> memref<3706x64xf32, #tpu.memory_space<hbm>>
    tpu.wait_indirect_dma semaphore(%arg13 : memref<!tpu.dma_semaphore, #tpu.memory_space<semaphore_mem>>) src(%dma_wait3A_304 : memref<3706x64xf32, #tpu.memory_space<hbm>>) dst(%dma_wait3A_298 : memref<128x64xf32, #tpu.memory_space<vmem>>)
    %dma_wait3A_305 = arith.constant 2 : i32
    %dma_wait3A_306 = arith.constant 256 : i32
    %dma_wait3A_307 = arith.constant 0 : i32
    %dma_wait3A_308 = tpu.memref_slice %arg10[%dma_wait3A_306, %dma_wait3A_307] : memref<512x64xf32, #tpu.memory_space<vmem>> -> memref<128x64xf32, #tpu.memory_space<vmem>>
    %dma_wait3A_309 = arith.constant 0 : i32
    %dma_wait3A_310 = tpu.memref_slice %arg8[%dma_wait3A_305, %dma_wait3A_309] : memref<4x128xi32, #tpu.memory_space<vmem>> -> memref<1x128xi32, #tpu.memory_space<vmem>>
    %dma_wait3A_311 = tpu.memref_squeeze %dma_wait3A_310 : memref<1x128xi32, #tpu.memory_space<vmem>> -> memref<128xi32, #tpu.memory_space<vmem>>
    %dma_wait3A_312 = arith.constant 0 : i32
    %dma_wait3A_313 = arith.constant 0 : i32
    %dma_wait3A_314 = tpu.memref_slice %arg3[%dma_wait3A_312, %dma_wait3A_313] : memref<3706x64xf32, #tpu.memory_space<hbm>> -> memref<3706x64xf32, #tpu.memory_space<hbm>>
    tpu.wait_indirect_dma semaphore(%arg13 : memref<!tpu.dma_semaphore, #tpu.memory_space<semaphore_mem>>) src(%dma_wait3A_314 : memref<3706x64xf32, #tpu.memory_space<hbm>>) dst(%dma_wait3A_308 : memref<128x64xf32, #tpu.memory_space<vmem>>)
    %dma_wait3A_315 = arith.constant 3 : i32
    %dma_wait3A_316 = arith.constant 384 : i32
    %dma_wait3A_317 = arith.constant 0 : i32
    %dma_wait3A_318 = tpu.memref_slice %arg10[%dma_wait3A_316, %dma_wait3A_317] : memref<512x64xf32, #tpu.memory_space<vmem>> -> memref<128x64xf32, #tpu.memory_space<vmem>>
    %dma_wait3A_319 = arith.constant 0 : i32
    %dma_wait3A_320 = tpu.memref_slice %arg8[%dma_wait3A_315, %dma_wait3A_319] : memref<4x128xi32, #tpu.memory_space<vmem>> -> memref<1x128xi32, #tpu.memory_space<vmem>>
    %dma_wait3A_321 = tpu.memref_squeeze %dma_wait3A_320 : memref<1x128xi32, #tpu.memory_space<vmem>> -> memref<128xi32, #tpu.memory_space<vmem>>
    %dma_wait3A_322 = arith.constant 0 : i32
    %dma_wait3A_323 = arith.constant 0 : i32
    %dma_wait3A_324 = tpu.memref_slice %arg3[%dma_wait3A_322, %dma_wait3A_323] : memref<3706x64xf32, #tpu.memory_space<hbm>> -> memref<3706x64xf32, #tpu.memory_space<hbm>>
    tpu.wait_indirect_dma semaphore(%arg13 : memref<!tpu.dma_semaphore, #tpu.memory_space<semaphore_mem>>) src(%dma_wait3A_324 : memref<3706x64xf32, #tpu.memory_space<hbm>>) dst(%dma_wait3A_318 : memref<128x64xf32, #tpu.memory_space<vmem>>)
    %dma_start3A_325 = arith.constant 64 : i32
    %dma_start3A_326 = tpu.memref_slice %arg6[%mul3A_2, %dma_start3A_325] : memref<16384x128xf32, #tpu.memory_space<hbm>> -> memref<512x64xf32, #tpu.memory_space<hbm>>
    %dma_start3A_327 = arith.constant 64 : i32
    %dma_start3A_328 = tpu.memref_slice %arg6[%mul3A_2, %dma_start3A_327] : memref<16384x128xf32, #tpu.memory_space<hbm>> -> memref<512x64xf32, #tpu.memory_space<hbm>>
    tpu.enqueue_dma source(%arg10 : memref<512x64xf32, #tpu.memory_space<vmem>>) target(%dma_start3A_328 : memref<512x64xf32, #tpu.memory_space<hbm>>) target_semaphore(%arg14 : memref<!tpu.dma_semaphore, #tpu.memory_space<semaphore_mem>>)
    %dma_wait3A_329 = arith.constant 0 : i32
    %dma_wait3A_330 = tpu.memref_slice %arg6[%mul3A_2, %dma_wait3A_329] : memref<16384x128xf32, #tpu.memory_space<hbm>> -> memref<512x64xf32, #tpu.memory_space<hbm>>
    %dma_wait3A_331 = arith.constant 0 : i32
    %dma_wait3A_332 = tpu.memref_slice %arg6[%mul3A_2, %dma_wait3A_331] : memref<16384x128xf32, #tpu.memory_space<hbm>> -> memref<512x64xf32, #tpu.memory_space<hbm>>
    tpu.wait_dma2 semaphore(%arg14 : memref<!tpu.dma_semaphore, #tpu.memory_space<semaphore_mem>>) src(%arg9 : memref<512x64xf32, #tpu.memory_space<vmem>>) dst(%dma_wait3A_332 : memref<512x64xf32, #tpu.memory_space<hbm>>)
    %dma_wait3A_333 = arith.constant 64 : i32
    %dma_wait3A_334 = tpu.memref_slice %arg6[%mul3A_2, %dma_wait3A_333] : memref<16384x128xf32, #tpu.memory_space<hbm>> -> memref<512x64xf32, #tpu.memory_space<hbm>>
    %dma_wait3A_335 = arith.constant 64 : i32
    %dma_wait3A_336 = tpu.memref_slice %arg6[%mul3A_2, %dma_wait3A_335] : memref<16384x128xf32, #tpu.memory_space<hbm>> -> memref<512x64xf32, #tpu.memory_space<hbm>>
    tpu.wait_dma2 semaphore(%arg14 : memref<!tpu.dma_semaphore, #tpu.memory_space<semaphore_mem>>) src(%arg10 : memref<512x64xf32, #tpu.memory_space<vmem>>) dst(%dma_wait3A_336 : memref<512x64xf32, #tpu.memory_space<hbm>>)
    return
  }
}

module attributes {stable_mosaic.version = 14 : i64} {
  func.func @_mlp_body(%arg0: i32, %arg1: memref<8192x128xf32, #tpu.memory_space<vmem>>, %arg2: memref<64x128xf32, #tpu.memory_space<vmem>>, %arg3: memref<1x64xf32, #tpu.memory_space<vmem>>, %arg4: memref<32x64xf32, #tpu.memory_space<vmem>>, %arg5: memref<1x32xf32, #tpu.memory_space<vmem>>, %arg6: memref<1x32xf32, #tpu.memory_space<vmem>>, %arg7: memref<1x1xf32, #tpu.memory_space<vmem>>, %arg8: memref<64x128xf32, #tpu.memory_space<vmem>>) attributes {dimension_semantics = [#tpu.dimension_semantics<parallel>], iteration_bounds = array<i64: 2>, scalar_prefetch = 0 : i64, scratch_operands = 0 : i64, tpu.core_type = #tpu.core_type<tc>, window_params = [{transform_indices = @transform_0, window_bounds = array<i64: 8192, 128>}, {pipeline_mode = #tpu.pipeline_mode<synchronous>, transform_indices = @transform_1, window_bounds = array<i64: 64, 128>}, {pipeline_mode = #tpu.pipeline_mode<synchronous>, transform_indices = @transform_2, window_bounds = array<i64: 1, 64>}, {pipeline_mode = #tpu.pipeline_mode<synchronous>, transform_indices = @transform_3, window_bounds = array<i64: 32, 64>}, {pipeline_mode = #tpu.pipeline_mode<synchronous>, transform_indices = @transform_4, window_bounds = array<i64: 1, 32>}, {pipeline_mode = #tpu.pipeline_mode<synchronous>, transform_indices = @transform_5, window_bounds = array<i64: 1, 32>}, {pipeline_mode = #tpu.pipeline_mode<synchronous>, transform_indices = @transform_6, window_bounds = array<i64: 1, 1>}, {transform_indices = @transform_7, window_bounds = array<i64: 64, 128>}]} {
    %get3A = arith.constant 0 : index
    %get3A_0 = arith.constant 0 : index
    %get3A_1 = vector.load %arg1[%get3A, %get3A_0] : memref<8192x128xf32, #tpu.memory_space<vmem>>, vector<8192x128xf32>
    %convert_element_type3A = arith.truncf %get3A_1 : vector<8192x128xf32> to vector<8192x128xbf16>
    %get3A_2 = arith.constant 0 : index
    %get3A_3 = arith.constant 0 : index
    %get3A_4 = vector.load %arg2[%get3A_2, %get3A_3] : memref<64x128xf32, #tpu.memory_space<vmem>>, vector<64x128xf32>
    %convert_element_type3A_5 = arith.truncf %get3A_4 : vector<64x128xf32> to vector<64x128xbf16>
    %dot_general3A = arith.constant dense<0.000000e+00> : vector<8192x64xf32>
    %dot_general3A_6 = tpu.matmul %convert_element_type3A, %convert_element_type3A_5, %dot_general3A {dimension_numbers = #tpu.dot_dimension_numbers<[1], [1], [0], [0], [0, 0, 1, 0], [], []>, transpose_lhs_hint = false} : vector<8192x128xbf16>, vector<64x128xbf16>, vector<8192x64xf32> -> vector<8192x64xf32>
    %get3A_7 = arith.constant 0 : index
    %get3A_8 = arith.constant 0 : index
    %get3A_9 = vector.load %arg3[%get3A_7, %get3A_8] : memref<1x64xf32, #tpu.memory_space<vmem>>, vector<1x64xf32>
    %add3A = vector.broadcast %get3A_9 : vector<1x64xf32> to vector<8192x64xf32>
    %add3A_10 = arith.addf %dot_general3A_6, %add3A : vector<8192x64xf32>
    %max3A = arith.constant 0.000000e+00 : f32
    %max3A_11 = vector.broadcast %max3A : f32 to vector<8192x64xf32>
    %max3A_12 = arith.maximumf %add3A_10, %max3A_11 : vector<8192x64xf32>
    %convert_element_type3A_13 = arith.truncf %max3A_12 : vector<8192x64xf32> to vector<8192x64xbf16>
    %get3A_14 = arith.constant 0 : index
    %get3A_15 = arith.constant 0 : index
    %get3A_16 = vector.load %arg4[%get3A_14, %get3A_15] : memref<32x64xf32, #tpu.memory_space<vmem>>, vector<32x64xf32>
    %convert_element_type3A_17 = arith.truncf %get3A_16 : vector<32x64xf32> to vector<32x64xbf16>
    %dot_general3A_18 = arith.constant dense<0.000000e+00> : vector<8192x32xf32>
    %dot_general3A_19 = tpu.matmul %convert_element_type3A_13, %convert_element_type3A_17, %dot_general3A_18 {dimension_numbers = #tpu.dot_dimension_numbers<[1], [1], [0], [0], [0, 0, 1, 0], [], []>, transpose_lhs_hint = false} : vector<8192x64xbf16>, vector<32x64xbf16>, vector<8192x32xf32> -> vector<8192x32xf32>
    %get3A_20 = arith.constant 0 : index
    %get3A_21 = arith.constant 0 : index
    %get3A_22 = vector.load %arg5[%get3A_20, %get3A_21] : memref<1x32xf32, #tpu.memory_space<vmem>>, vector<1x32xf32>
    %add3A_23 = vector.broadcast %get3A_22 : vector<1x32xf32> to vector<8192x32xf32>
    %add3A_24 = arith.addf %dot_general3A_19, %add3A_23 : vector<8192x32xf32>
    %max3A_25 = arith.constant 0.000000e+00 : f32
    %max3A_26 = vector.broadcast %max3A_25 : f32 to vector<8192x32xf32>
    %max3A_27 = arith.maximumf %add3A_24, %max3A_26 : vector<8192x32xf32>
    %get3A_28 = arith.constant 0 : index
    %get3A_29 = arith.constant 0 : index
    %get3A_30 = vector.load %arg6[%get3A_28, %get3A_29] : memref<1x32xf32, #tpu.memory_space<vmem>>, vector<1x32xf32>
    %dot_general3A_31 = arith.constant dense<0.000000e+00> : vector<1x8192xf32>
    %dot_general3A_32 = tpu.matmul %get3A_30, %max3A_27, %dot_general3A_31 {dimension_numbers = #tpu.dot_dimension_numbers<[1], [1], [0], [0], [0, 0, 1, 0], [], []>, transpose_lhs_hint = false} : vector<1x32xf32>, vector<8192x32xf32>, vector<1x8192xf32> -> vector<1x8192xf32>
    %get3A_33 = arith.constant 0 : index
    %get3A_34 = arith.constant 0 : index
    %get3A_35 = vector.load %arg7[%get3A_33, %get3A_34] : memref<1x1xf32, #tpu.memory_space<vmem>>, vector<1x1xf32>
    %add3A_36 = vector.broadcast %get3A_35 : vector<1x1xf32> to vector<1x8192xf32>
    %add3A_37 = arith.addf %dot_general3A_32, %add3A_36 : vector<1x8192xf32>
    %slice3A = vector.extract_strided_slice %add3A_37 {offsets = [0, 0], sizes = [1, 128], strides = [1, 1]} : vector<1x8192xf32> to vector<1x128xf32>
    %swap3A = arith.constant 0 : index
    %swap3A_38 = arith.constant 0 : index
    %swap3A_39 = vector.load %arg8[%swap3A, %swap3A_38] : memref<64x128xf32, #tpu.memory_space<vmem>>, vector<1x128xf32>
    tpu.vector_store %arg8[%swap3A, %swap3A_38], %slice3A {strides = array<i32>} : memref<64x128xf32, #tpu.memory_space<vmem>>, vector<1x128xf32>,
    %slice3A_40 = vector.extract_strided_slice %add3A_37 {offsets = [0, 128], sizes = [1, 128], strides = [1, 1]} : vector<1x8192xf32> to vector<1x128xf32>
    %swap3A_41 = arith.constant 1 : index
    %swap3A_42 = arith.constant 0 : index
    %swap3A_43 = vector.load %arg8[%swap3A_41, %swap3A_42] : memref<64x128xf32, #tpu.memory_space<vmem>>, vector<1x128xf32>
    tpu.vector_store %arg8[%swap3A_41, %swap3A_42], %slice3A_40 {strides = array<i32>} : memref<64x128xf32, #tpu.memory_space<vmem>>, vector<1x128xf32>,
    %slice3A_44 = vector.extract_strided_slice %add3A_37 {offsets = [0, 256], sizes = [1, 128], strides = [1, 1]} : vector<1x8192xf32> to vector<1x128xf32>
    %swap3A_45 = arith.constant 2 : index
    %swap3A_46 = arith.constant 0 : index
    %swap3A_47 = vector.load %arg8[%swap3A_45, %swap3A_46] : memref<64x128xf32, #tpu.memory_space<vmem>>, vector<1x128xf32>
    tpu.vector_store %arg8[%swap3A_45, %swap3A_46], %slice3A_44 {strides = array<i32>} : memref<64x128xf32, #tpu.memory_space<vmem>>, vector<1x128xf32>,
    %slice3A_48 = vector.extract_strided_slice %add3A_37 {offsets = [0, 384], sizes = [1, 128], strides = [1, 1]} : vector<1x8192xf32> to vector<1x128xf32>
    %swap3A_49 = arith.constant 3 : index
    %swap3A_50 = arith.constant 0 : index
    %swap3A_51 = vector.load %arg8[%swap3A_49, %swap3A_50] : memref<64x128xf32, #tpu.memory_space<vmem>>, vector<1x128xf32>
    tpu.vector_store %arg8[%swap3A_49, %swap3A_50], %slice3A_48 {strides = array<i32>} : memref<64x128xf32, #tpu.memory_space<vmem>>, vector<1x128xf32>,
    %slice3A_52 = vector.extract_strided_slice %add3A_37 {offsets = [0, 512], sizes = [1, 128], strides = [1, 1]} : vector<1x8192xf32> to vector<1x128xf32>
    %swap3A_53 = arith.constant 4 : index
    %swap3A_54 = arith.constant 0 : index
    %swap3A_55 = vector.load %arg8[%swap3A_53, %swap3A_54] : memref<64x128xf32, #tpu.memory_space<vmem>>, vector<1x128xf32>
    tpu.vector_store %arg8[%swap3A_53, %swap3A_54], %slice3A_52 {strides = array<i32>} : memref<64x128xf32, #tpu.memory_space<vmem>>, vector<1x128xf32>,
    %slice3A_56 = vector.extract_strided_slice %add3A_37 {offsets = [0, 640], sizes = [1, 128], strides = [1, 1]} : vector<1x8192xf32> to vector<1x128xf32>
    %swap3A_57 = arith.constant 5 : index
    %swap3A_58 = arith.constant 0 : index
    %swap3A_59 = vector.load %arg8[%swap3A_57, %swap3A_58] : memref<64x128xf32, #tpu.memory_space<vmem>>, vector<1x128xf32>
    tpu.vector_store %arg8[%swap3A_57, %swap3A_58], %slice3A_56 {strides = array<i32>} : memref<64x128xf32, #tpu.memory_space<vmem>>, vector<1x128xf32>,
    %slice3A_60 = vector.extract_strided_slice %add3A_37 {offsets = [0, 768], sizes = [1, 128], strides = [1, 1]} : vector<1x8192xf32> to vector<1x128xf32>
    %swap3A_61 = arith.constant 6 : index
    %swap3A_62 = arith.constant 0 : index
    %swap3A_63 = vector.load %arg8[%swap3A_61, %swap3A_62] : memref<64x128xf32, #tpu.memory_space<vmem>>, vector<1x128xf32>
    tpu.vector_store %arg8[%swap3A_61, %swap3A_62], %slice3A_60 {strides = array<i32>} : memref<64x128xf32, #tpu.memory_space<vmem>>, vector<1x128xf32>,
    %slice3A_64 = vector.extract_strided_slice %add3A_37 {offsets = [0, 896], sizes = [1, 128], strides = [1, 1]} : vector<1x8192xf32> to vector<1x128xf32>
    %swap3A_65 = arith.constant 7 : index
    %swap3A_66 = arith.constant 0 : index
    %swap3A_67 = vector.load %arg8[%swap3A_65, %swap3A_66] : memref<64x128xf32, #tpu.memory_space<vmem>>, vector<1x128xf32>
    tpu.vector_store %arg8[%swap3A_65, %swap3A_66], %slice3A_64 {strides = array<i32>} : memref<64x128xf32, #tpu.memory_space<vmem>>, vector<1x128xf32>,
    %slice3A_68 = vector.extract_strided_slice %add3A_37 {offsets = [0, 1024], sizes = [1, 128], strides = [1, 1]} : vector<1x8192xf32> to vector<1x128xf32>
    %swap3A_69 = arith.constant 8 : index
    %swap3A_70 = arith.constant 0 : index
    %swap3A_71 = vector.load %arg8[%swap3A_69, %swap3A_70] : memref<64x128xf32, #tpu.memory_space<vmem>>, vector<1x128xf32>
    tpu.vector_store %arg8[%swap3A_69, %swap3A_70], %slice3A_68 {strides = array<i32>} : memref<64x128xf32, #tpu.memory_space<vmem>>, vector<1x128xf32>,
    %slice3A_72 = vector.extract_strided_slice %add3A_37 {offsets = [0, 1152], sizes = [1, 128], strides = [1, 1]} : vector<1x8192xf32> to vector<1x128xf32>
    %swap3A_73 = arith.constant 9 : index
    %swap3A_74 = arith.constant 0 : index
    %swap3A_75 = vector.load %arg8[%swap3A_73, %swap3A_74] : memref<64x128xf32, #tpu.memory_space<vmem>>, vector<1x128xf32>
    tpu.vector_store %arg8[%swap3A_73, %swap3A_74], %slice3A_72 {strides = array<i32>} : memref<64x128xf32, #tpu.memory_space<vmem>>, vector<1x128xf32>,
    %slice3A_76 = vector.extract_strided_slice %add3A_37 {offsets = [0, 1280], sizes = [1, 128], strides = [1, 1]} : vector<1x8192xf32> to vector<1x128xf32>
    %swap3A_77 = arith.constant 10 : index
    %swap3A_78 = arith.constant 0 : index
    %swap3A_79 = vector.load %arg8[%swap3A_77, %swap3A_78] : memref<64x128xf32, #tpu.memory_space<vmem>>, vector<1x128xf32>
    tpu.vector_store %arg8[%swap3A_77, %swap3A_78], %slice3A_76 {strides = array<i32>} : memref<64x128xf32, #tpu.memory_space<vmem>>, vector<1x128xf32>,
    %slice3A_80 = vector.extract_strided_slice %add3A_37 {offsets = [0, 1408], sizes = [1, 128], strides = [1, 1]} : vector<1x8192xf32> to vector<1x128xf32>
    %swap3A_81 = arith.constant 11 : index
    %swap3A_82 = arith.constant 0 : index
    %swap3A_83 = vector.load %arg8[%swap3A_81, %swap3A_82] : memref<64x128xf32, #tpu.memory_space<vmem>>, vector<1x128xf32>
    tpu.vector_store %arg8[%swap3A_81, %swap3A_82], %slice3A_80 {strides = array<i32>} : memref<64x128xf32, #tpu.memory_space<vmem>>, vector<1x128xf32>,
    %slice3A_84 = vector.extract_strided_slice %add3A_37 {offsets = [0, 1536], sizes = [1, 128], strides = [1, 1]} : vector<1x8192xf32> to vector<1x128xf32>
    %swap3A_85 = arith.constant 12 : index
    %swap3A_86 = arith.constant 0 : index
    %swap3A_87 = vector.load %arg8[%swap3A_85, %swap3A_86] : memref<64x128xf32, #tpu.memory_space<vmem>>, vector<1x128xf32>
    tpu.vector_store %arg8[%swap3A_85, %swap3A_86], %slice3A_84 {strides = array<i32>} : memref<64x128xf32, #tpu.memory_space<vmem>>, vector<1x128xf32>,
    %slice3A_88 = vector.extract_strided_slice %add3A_37 {offsets = [0, 1664], sizes = [1, 128], strides = [1, 1]} : vector<1x8192xf32> to vector<1x128xf32>
    %swap3A_89 = arith.constant 13 : index
    %swap3A_90 = arith.constant 0 : index
    %swap3A_91 = vector.load %arg8[%swap3A_89, %swap3A_90] : memref<64x128xf32, #tpu.memory_space<vmem>>, vector<1x128xf32>
    tpu.vector_store %arg8[%swap3A_89, %swap3A_90], %slice3A_88 {strides = array<i32>} : memref<64x128xf32, #tpu.memory_space<vmem>>, vector<1x128xf32>,
    %slice3A_92 = vector.extract_strided_slice %add3A_37 {offsets = [0, 1792], sizes = [1, 128], strides = [1, 1]} : vector<1x8192xf32> to vector<1x128xf32>
    %swap3A_93 = arith.constant 14 : index
    %swap3A_94 = arith.constant 0 : index
    %swap3A_95 = vector.load %arg8[%swap3A_93, %swap3A_94] : memref<64x128xf32, #tpu.memory_space<vmem>>, vector<1x128xf32>
    tpu.vector_store %arg8[%swap3A_93, %swap3A_94], %slice3A_92 {strides = array<i32>} : memref<64x128xf32, #tpu.memory_space<vmem>>, vector<1x128xf32>,
    %slice3A_96 = vector.extract_strided_slice %add3A_37 {offsets = [0, 1920], sizes = [1, 128], strides = [1, 1]} : vector<1x8192xf32> to vector<1x128xf32>
    %swap3A_97 = arith.constant 15 : index
    %swap3A_98 = arith.constant 0 : index
    %swap3A_99 = vector.load %arg8[%swap3A_97, %swap3A_98] : memref<64x128xf32, #tpu.memory_space<vmem>>, vector<1x128xf32>
    tpu.vector_store %arg8[%swap3A_97, %swap3A_98], %slice3A_96 {strides = array<i32>} : memref<64x128xf32, #tpu.memory_space<vmem>>, vector<1x128xf32>,
    %slice3A_100 = vector.extract_strided_slice %add3A_37 {offsets = [0, 2048], sizes = [1, 128], strides = [1, 1]} : vector<1x8192xf32> to vector<1x128xf32>
    %swap3A_101 = arith.constant 16 : index
    %swap3A_102 = arith.constant 0 : index
    %swap3A_103 = vector.load %arg8[%swap3A_101, %swap3A_102] : memref<64x128xf32, #tpu.memory_space<vmem>>, vector<1x128xf32>
    tpu.vector_store %arg8[%swap3A_101, %swap3A_102], %slice3A_100 {strides = array<i32>} : memref<64x128xf32, #tpu.memory_space<vmem>>, vector<1x128xf32>,
    %slice3A_104 = vector.extract_strided_slice %add3A_37 {offsets = [0, 2176], sizes = [1, 128], strides = [1, 1]} : vector<1x8192xf32> to vector<1x128xf32>
    %swap3A_105 = arith.constant 17 : index
    %swap3A_106 = arith.constant 0 : index
    %swap3A_107 = vector.load %arg8[%swap3A_105, %swap3A_106] : memref<64x128xf32, #tpu.memory_space<vmem>>, vector<1x128xf32>
    tpu.vector_store %arg8[%swap3A_105, %swap3A_106], %slice3A_104 {strides = array<i32>} : memref<64x128xf32, #tpu.memory_space<vmem>>, vector<1x128xf32>,
    %slice3A_108 = vector.extract_strided_slice %add3A_37 {offsets = [0, 2304], sizes = [1, 128], strides = [1, 1]} : vector<1x8192xf32> to vector<1x128xf32>
    %swap3A_109 = arith.constant 18 : index
    %swap3A_110 = arith.constant 0 : index
    %swap3A_111 = vector.load %arg8[%swap3A_109, %swap3A_110] : memref<64x128xf32, #tpu.memory_space<vmem>>, vector<1x128xf32>
    tpu.vector_store %arg8[%swap3A_109, %swap3A_110], %slice3A_108 {strides = array<i32>} : memref<64x128xf32, #tpu.memory_space<vmem>>, vector<1x128xf32>,
    %slice3A_112 = vector.extract_strided_slice %add3A_37 {offsets = [0, 2432], sizes = [1, 128], strides = [1, 1]} : vector<1x8192xf32> to vector<1x128xf32>
    %swap3A_113 = arith.constant 19 : index
    %swap3A_114 = arith.constant 0 : index
    %swap3A_115 = vector.load %arg8[%swap3A_113, %swap3A_114] : memref<64x128xf32, #tpu.memory_space<vmem>>, vector<1x128xf32>
    tpu.vector_store %arg8[%swap3A_113, %swap3A_114], %slice3A_112 {strides = array<i32>} : memref<64x128xf32, #tpu.memory_space<vmem>>, vector<1x128xf32>,
    %slice3A_116 = vector.extract_strided_slice %add3A_37 {offsets = [0, 2560], sizes = [1, 128], strides = [1, 1]} : vector<1x8192xf32> to vector<1x128xf32>
    %swap3A_117 = arith.constant 20 : index
    %swap3A_118 = arith.constant 0 : index
    %swap3A_119 = vector.load %arg8[%swap3A_117, %swap3A_118] : memref<64x128xf32, #tpu.memory_space<vmem>>, vector<1x128xf32>
    tpu.vector_store %arg8[%swap3A_117, %swap3A_118], %slice3A_116 {strides = array<i32>} : memref<64x128xf32, #tpu.memory_space<vmem>>, vector<1x128xf32>,
    %slice3A_120 = vector.extract_strided_slice %add3A_37 {offsets = [0, 2688], sizes = [1, 128], strides = [1, 1]} : vector<1x8192xf32> to vector<1x128xf32>
    %swap3A_121 = arith.constant 21 : index
    %swap3A_122 = arith.constant 0 : index
    %swap3A_123 = vector.load %arg8[%swap3A_121, %swap3A_122] : memref<64x128xf32, #tpu.memory_space<vmem>>, vector<1x128xf32>
    tpu.vector_store %arg8[%swap3A_121, %swap3A_122], %slice3A_120 {strides = array<i32>} : memref<64x128xf32, #tpu.memory_space<vmem>>, vector<1x128xf32>,
    %slice3A_124 = vector.extract_strided_slice %add3A_37 {offsets = [0, 2816], sizes = [1, 128], strides = [1, 1]} : vector<1x8192xf32> to vector<1x128xf32>
    %swap3A_125 = arith.constant 22 : index
    %swap3A_126 = arith.constant 0 : index
    %swap3A_127 = vector.load %arg8[%swap3A_125, %swap3A_126] : memref<64x128xf32, #tpu.memory_space<vmem>>, vector<1x128xf32>
    tpu.vector_store %arg8[%swap3A_125, %swap3A_126], %slice3A_124 {strides = array<i32>} : memref<64x128xf32, #tpu.memory_space<vmem>>, vector<1x128xf32>,
    %slice3A_128 = vector.extract_strided_slice %add3A_37 {offsets = [0, 2944], sizes = [1, 128], strides = [1, 1]} : vector<1x8192xf32> to vector<1x128xf32>
    %swap3A_129 = arith.constant 23 : index
    %swap3A_130 = arith.constant 0 : index
    %swap3A_131 = vector.load %arg8[%swap3A_129, %swap3A_130] : memref<64x128xf32, #tpu.memory_space<vmem>>, vector<1x128xf32>
    tpu.vector_store %arg8[%swap3A_129, %swap3A_130], %slice3A_128 {strides = array<i32>} : memref<64x128xf32, #tpu.memory_space<vmem>>, vector<1x128xf32>,
    %slice3A_132 = vector.extract_strided_slice %add3A_37 {offsets = [0, 3072], sizes = [1, 128], strides = [1, 1]} : vector<1x8192xf32> to vector<1x128xf32>
    %swap3A_133 = arith.constant 24 : index
    %swap3A_134 = arith.constant 0 : index
    %swap3A_135 = vector.load %arg8[%swap3A_133, %swap3A_134] : memref<64x128xf32, #tpu.memory_space<vmem>>, vector<1x128xf32>
    tpu.vector_store %arg8[%swap3A_133, %swap3A_134], %slice3A_132 {strides = array<i32>} : memref<64x128xf32, #tpu.memory_space<vmem>>, vector<1x128xf32>,
    %slice3A_136 = vector.extract_strided_slice %add3A_37 {offsets = [0, 3200], sizes = [1, 128], strides = [1, 1]} : vector<1x8192xf32> to vector<1x128xf32>
    %swap3A_137 = arith.constant 25 : index
    %swap3A_138 = arith.constant 0 : index
    %swap3A_139 = vector.load %arg8[%swap3A_137, %swap3A_138] : memref<64x128xf32, #tpu.memory_space<vmem>>, vector<1x128xf32>
    tpu.vector_store %arg8[%swap3A_137, %swap3A_138], %slice3A_136 {strides = array<i32>} : memref<64x128xf32, #tpu.memory_space<vmem>>, vector<1x128xf32>,
    %slice3A_140 = vector.extract_strided_slice %add3A_37 {offsets = [0, 3328], sizes = [1, 128], strides = [1, 1]} : vector<1x8192xf32> to vector<1x128xf32>
    %swap3A_141 = arith.constant 26 : index
    %swap3A_142 = arith.constant 0 : index
    %swap3A_143 = vector.load %arg8[%swap3A_141, %swap3A_142] : memref<64x128xf32, #tpu.memory_space<vmem>>, vector<1x128xf32>
    tpu.vector_store %arg8[%swap3A_141, %swap3A_142], %slice3A_140 {strides = array<i32>} : memref<64x128xf32, #tpu.memory_space<vmem>>, vector<1x128xf32>,
    %slice3A_144 = vector.extract_strided_slice %add3A_37 {offsets = [0, 3456], sizes = [1, 128], strides = [1, 1]} : vector<1x8192xf32> to vector<1x128xf32>
    %swap3A_145 = arith.constant 27 : index
    %swap3A_146 = arith.constant 0 : index
    %swap3A_147 = vector.load %arg8[%swap3A_145, %swap3A_146] : memref<64x128xf32, #tpu.memory_space<vmem>>, vector<1x128xf32>
    tpu.vector_store %arg8[%swap3A_145, %swap3A_146], %slice3A_144 {strides = array<i32>} : memref<64x128xf32, #tpu.memory_space<vmem>>, vector<1x128xf32>,
    %slice3A_148 = vector.extract_strided_slice %add3A_37 {offsets = [0, 3584], sizes = [1, 128], strides = [1, 1]} : vector<1x8192xf32> to vector<1x128xf32>
    %swap3A_149 = arith.constant 28 : index
    %swap3A_150 = arith.constant 0 : index
    %swap3A_151 = vector.load %arg8[%swap3A_149, %swap3A_150] : memref<64x128xf32, #tpu.memory_space<vmem>>, vector<1x128xf32>
    tpu.vector_store %arg8[%swap3A_149, %swap3A_150], %slice3A_148 {strides = array<i32>} : memref<64x128xf32, #tpu.memory_space<vmem>>, vector<1x128xf32>,
    %slice3A_152 = vector.extract_strided_slice %add3A_37 {offsets = [0, 3712], sizes = [1, 128], strides = [1, 1]} : vector<1x8192xf32> to vector<1x128xf32>
    %swap3A_153 = arith.constant 29 : index
    %swap3A_154 = arith.constant 0 : index
    %swap3A_155 = vector.load %arg8[%swap3A_153, %swap3A_154] : memref<64x128xf32, #tpu.memory_space<vmem>>, vector<1x128xf32>
    tpu.vector_store %arg8[%swap3A_153, %swap3A_154], %slice3A_152 {strides = array<i32>} : memref<64x128xf32, #tpu.memory_space<vmem>>, vector<1x128xf32>,
    %slice3A_156 = vector.extract_strided_slice %add3A_37 {offsets = [0, 3840], sizes = [1, 128], strides = [1, 1]} : vector<1x8192xf32> to vector<1x128xf32>
    %swap3A_157 = arith.constant 30 : index
    %swap3A_158 = arith.constant 0 : index
    %swap3A_159 = vector.load %arg8[%swap3A_157, %swap3A_158] : memref<64x128xf32, #tpu.memory_space<vmem>>, vector<1x128xf32>
    tpu.vector_store %arg8[%swap3A_157, %swap3A_158], %slice3A_156 {strides = array<i32>} : memref<64x128xf32, #tpu.memory_space<vmem>>, vector<1x128xf32>,
    %slice3A_160 = vector.extract_strided_slice %add3A_37 {offsets = [0, 3968], sizes = [1, 128], strides = [1, 1]} : vector<1x8192xf32> to vector<1x128xf32>
    %swap3A_161 = arith.constant 31 : index
    %swap3A_162 = arith.constant 0 : index
    %swap3A_163 = vector.load %arg8[%swap3A_161, %swap3A_162] : memref<64x128xf32, #tpu.memory_space<vmem>>, vector<1x128xf32>
    tpu.vector_store %arg8[%swap3A_161, %swap3A_162], %slice3A_160 {strides = array<i32>} : memref<64x128xf32, #tpu.memory_space<vmem>>, vector<1x128xf32>,
    %slice3A_164 = vector.extract_strided_slice %add3A_37 {offsets = [0, 4096], sizes = [1, 128], strides = [1, 1]} : vector<1x8192xf32> to vector<1x128xf32>
    %swap3A_165 = arith.constant 32 : index
    %swap3A_166 = arith.constant 0 : index
    %swap3A_167 = vector.load %arg8[%swap3A_165, %swap3A_166] : memref<64x128xf32, #tpu.memory_space<vmem>>, vector<1x128xf32>
    tpu.vector_store %arg8[%swap3A_165, %swap3A_166], %slice3A_164 {strides = array<i32>} : memref<64x128xf32, #tpu.memory_space<vmem>>, vector<1x128xf32>,
    %slice3A_168 = vector.extract_strided_slice %add3A_37 {offsets = [0, 4224], sizes = [1, 128], strides = [1, 1]} : vector<1x8192xf32> to vector<1x128xf32>
    %swap3A_169 = arith.constant 33 : index
    %swap3A_170 = arith.constant 0 : index
    %swap3A_171 = vector.load %arg8[%swap3A_169, %swap3A_170] : memref<64x128xf32, #tpu.memory_space<vmem>>, vector<1x128xf32>
    tpu.vector_store %arg8[%swap3A_169, %swap3A_170], %slice3A_168 {strides = array<i32>} : memref<64x128xf32, #tpu.memory_space<vmem>>, vector<1x128xf32>,
    %slice3A_172 = vector.extract_strided_slice %add3A_37 {offsets = [0, 4352], sizes = [1, 128], strides = [1, 1]} : vector<1x8192xf32> to vector<1x128xf32>
    %swap3A_173 = arith.constant 34 : index
    %swap3A_174 = arith.constant 0 : index
    %swap3A_175 = vector.load %arg8[%swap3A_173, %swap3A_174] : memref<64x128xf32, #tpu.memory_space<vmem>>, vector<1x128xf32>
    tpu.vector_store %arg8[%swap3A_173, %swap3A_174], %slice3A_172 {strides = array<i32>} : memref<64x128xf32, #tpu.memory_space<vmem>>, vector<1x128xf32>,
    %slice3A_176 = vector.extract_strided_slice %add3A_37 {offsets = [0, 4480], sizes = [1, 128], strides = [1, 1]} : vector<1x8192xf32> to vector<1x128xf32>
    %swap3A_177 = arith.constant 35 : index
    %swap3A_178 = arith.constant 0 : index
    %swap3A_179 = vector.load %arg8[%swap3A_177, %swap3A_178] : memref<64x128xf32, #tpu.memory_space<vmem>>, vector<1x128xf32>
    tpu.vector_store %arg8[%swap3A_177, %swap3A_178], %slice3A_176 {strides = array<i32>} : memref<64x128xf32, #tpu.memory_space<vmem>>, vector<1x128xf32>,
    %slice3A_180 = vector.extract_strided_slice %add3A_37 {offsets = [0, 4608], sizes = [1, 128], strides = [1, 1]} : vector<1x8192xf32> to vector<1x128xf32>
    %swap3A_181 = arith.constant 36 : index
    %swap3A_182 = arith.constant 0 : index
    %swap3A_183 = vector.load %arg8[%swap3A_181, %swap3A_182] : memref<64x128xf32, #tpu.memory_space<vmem>>, vector<1x128xf32>
    tpu.vector_store %arg8[%swap3A_181, %swap3A_182], %slice3A_180 {strides = array<i32>} : memref<64x128xf32, #tpu.memory_space<vmem>>, vector<1x128xf32>,
    %slice3A_184 = vector.extract_strided_slice %add3A_37 {offsets = [0, 4736], sizes = [1, 128], strides = [1, 1]} : vector<1x8192xf32> to vector<1x128xf32>
    %swap3A_185 = arith.constant 37 : index
    %swap3A_186 = arith.constant 0 : index
    %swap3A_187 = vector.load %arg8[%swap3A_185, %swap3A_186] : memref<64x128xf32, #tpu.memory_space<vmem>>, vector<1x128xf32>
    tpu.vector_store %arg8[%swap3A_185, %swap3A_186], %slice3A_184 {strides = array<i32>} : memref<64x128xf32, #tpu.memory_space<vmem>>, vector<1x128xf32>,
    %slice3A_188 = vector.extract_strided_slice %add3A_37 {offsets = [0, 4864], sizes = [1, 128], strides = [1, 1]} : vector<1x8192xf32> to vector<1x128xf32>
    %swap3A_189 = arith.constant 38 : index
    %swap3A_190 = arith.constant 0 : index
    %swap3A_191 = vector.load %arg8[%swap3A_189, %swap3A_190] : memref<64x128xf32, #tpu.memory_space<vmem>>, vector<1x128xf32>
    tpu.vector_store %arg8[%swap3A_189, %swap3A_190], %slice3A_188 {strides = array<i32>} : memref<64x128xf32, #tpu.memory_space<vmem>>, vector<1x128xf32>,
    %slice3A_192 = vector.extract_strided_slice %add3A_37 {offsets = [0, 4992], sizes = [1, 128], strides = [1, 1]} : vector<1x8192xf32> to vector<1x128xf32>
    %swap3A_193 = arith.constant 39 : index
    %swap3A_194 = arith.constant 0 : index
    %swap3A_195 = vector.load %arg8[%swap3A_193, %swap3A_194] : memref<64x128xf32, #tpu.memory_space<vmem>>, vector<1x128xf32>
    tpu.vector_store %arg8[%swap3A_193, %swap3A_194], %slice3A_192 {strides = array<i32>} : memref<64x128xf32, #tpu.memory_space<vmem>>, vector<1x128xf32>,
    %slice3A_196 = vector.extract_strided_slice %add3A_37 {offsets = [0, 5120], sizes = [1, 128], strides = [1, 1]} : vector<1x8192xf32> to vector<1x128xf32>
    %swap3A_197 = arith.constant 40 : index
    %swap3A_198 = arith.constant 0 : index
    %swap3A_199 = vector.load %arg8[%swap3A_197, %swap3A_198] : memref<64x128xf32, #tpu.memory_space<vmem>>, vector<1x128xf32>
    tpu.vector_store %arg8[%swap3A_197, %swap3A_198], %slice3A_196 {strides = array<i32>} : memref<64x128xf32, #tpu.memory_space<vmem>>, vector<1x128xf32>,
    %slice3A_200 = vector.extract_strided_slice %add3A_37 {offsets = [0, 5248], sizes = [1, 128], strides = [1, 1]} : vector<1x8192xf32> to vector<1x128xf32>
    %swap3A_201 = arith.constant 41 : index
    %swap3A_202 = arith.constant 0 : index
    %swap3A_203 = vector.load %arg8[%swap3A_201, %swap3A_202] : memref<64x128xf32, #tpu.memory_space<vmem>>, vector<1x128xf32>
    tpu.vector_store %arg8[%swap3A_201, %swap3A_202], %slice3A_200 {strides = array<i32>} : memref<64x128xf32, #tpu.memory_space<vmem>>, vector<1x128xf32>,
    %slice3A_204 = vector.extract_strided_slice %add3A_37 {offsets = [0, 5376], sizes = [1, 128], strides = [1, 1]} : vector<1x8192xf32> to vector<1x128xf32>
    %swap3A_205 = arith.constant 42 : index
    %swap3A_206 = arith.constant 0 : index
    %swap3A_207 = vector.load %arg8[%swap3A_205, %swap3A_206] : memref<64x128xf32, #tpu.memory_space<vmem>>, vector<1x128xf32>
    tpu.vector_store %arg8[%swap3A_205, %swap3A_206], %slice3A_204 {strides = array<i32>} : memref<64x128xf32, #tpu.memory_space<vmem>>, vector<1x128xf32>,
    %slice3A_208 = vector.extract_strided_slice %add3A_37 {offsets = [0, 5504], sizes = [1, 128], strides = [1, 1]} : vector<1x8192xf32> to vector<1x128xf32>
    %swap3A_209 = arith.constant 43 : index
    %swap3A_210 = arith.constant 0 : index
    %swap3A_211 = vector.load %arg8[%swap3A_209, %swap3A_210] : memref<64x128xf32, #tpu.memory_space<vmem>>, vector<1x128xf32>
    tpu.vector_store %arg8[%swap3A_209, %swap3A_210], %slice3A_208 {strides = array<i32>} : memref<64x128xf32, #tpu.memory_space<vmem>>, vector<1x128xf32>,
    %slice3A_212 = vector.extract_strided_slice %add3A_37 {offsets = [0, 5632], sizes = [1, 128], strides = [1, 1]} : vector<1x8192xf32> to vector<1x128xf32>
    %swap3A_213 = arith.constant 44 : index
    %swap3A_214 = arith.constant 0 : index
    %swap3A_215 = vector.load %arg8[%swap3A_213, %swap3A_214] : memref<64x128xf32, #tpu.memory_space<vmem>>, vector<1x128xf32>
    tpu.vector_store %arg8[%swap3A_213, %swap3A_214], %slice3A_212 {strides = array<i32>} : memref<64x128xf32, #tpu.memory_space<vmem>>, vector<1x128xf32>,
    %slice3A_216 = vector.extract_strided_slice %add3A_37 {offsets = [0, 5760], sizes = [1, 128], strides = [1, 1]} : vector<1x8192xf32> to vector<1x128xf32>
    %swap3A_217 = arith.constant 45 : index
    %swap3A_218 = arith.constant 0 : index
    %swap3A_219 = vector.load %arg8[%swap3A_217, %swap3A_218] : memref<64x128xf32, #tpu.memory_space<vmem>>, vector<1x128xf32>
    tpu.vector_store %arg8[%swap3A_217, %swap3A_218], %slice3A_216 {strides = array<i32>} : memref<64x128xf32, #tpu.memory_space<vmem>>, vector<1x128xf32>,
    %slice3A_220 = vector.extract_strided_slice %add3A_37 {offsets = [0, 5888], sizes = [1, 128], strides = [1, 1]} : vector<1x8192xf32> to vector<1x128xf32>
    %swap3A_221 = arith.constant 46 : index
    %swap3A_222 = arith.constant 0 : index
    %swap3A_223 = vector.load %arg8[%swap3A_221, %swap3A_222] : memref<64x128xf32, #tpu.memory_space<vmem>>, vector<1x128xf32>
    tpu.vector_store %arg8[%swap3A_221, %swap3A_222], %slice3A_220 {strides = array<i32>} : memref<64x128xf32, #tpu.memory_space<vmem>>, vector<1x128xf32>,
    %slice3A_224 = vector.extract_strided_slice %add3A_37 {offsets = [0, 6016], sizes = [1, 128], strides = [1, 1]} : vector<1x8192xf32> to vector<1x128xf32>
    %swap3A_225 = arith.constant 47 : index
    %swap3A_226 = arith.constant 0 : index
    %swap3A_227 = vector.load %arg8[%swap3A_225, %swap3A_226] : memref<64x128xf32, #tpu.memory_space<vmem>>, vector<1x128xf32>
    tpu.vector_store %arg8[%swap3A_225, %swap3A_226], %slice3A_224 {strides = array<i32>} : memref<64x128xf32, #tpu.memory_space<vmem>>, vector<1x128xf32>,
    %slice3A_228 = vector.extract_strided_slice %add3A_37 {offsets = [0, 6144], sizes = [1, 128], strides = [1, 1]} : vector<1x8192xf32> to vector<1x128xf32>
    %swap3A_229 = arith.constant 48 : index
    %swap3A_230 = arith.constant 0 : index
    %swap3A_231 = vector.load %arg8[%swap3A_229, %swap3A_230] : memref<64x128xf32, #tpu.memory_space<vmem>>, vector<1x128xf32>
    tpu.vector_store %arg8[%swap3A_229, %swap3A_230], %slice3A_228 {strides = array<i32>} : memref<64x128xf32, #tpu.memory_space<vmem>>, vector<1x128xf32>,
    %slice3A_232 = vector.extract_strided_slice %add3A_37 {offsets = [0, 6272], sizes = [1, 128], strides = [1, 1]} : vector<1x8192xf32> to vector<1x128xf32>
    %swap3A_233 = arith.constant 49 : index
    %swap3A_234 = arith.constant 0 : index
    %swap3A_235 = vector.load %arg8[%swap3A_233, %swap3A_234] : memref<64x128xf32, #tpu.memory_space<vmem>>, vector<1x128xf32>
    tpu.vector_store %arg8[%swap3A_233, %swap3A_234], %slice3A_232 {strides = array<i32>} : memref<64x128xf32, #tpu.memory_space<vmem>>, vector<1x128xf32>,
    %slice3A_236 = vector.extract_strided_slice %add3A_37 {offsets = [0, 6400], sizes = [1, 128], strides = [1, 1]} : vector<1x8192xf32> to vector<1x128xf32>
    %swap3A_237 = arith.constant 50 : index
    %swap3A_238 = arith.constant 0 : index
    %swap3A_239 = vector.load %arg8[%swap3A_237, %swap3A_238] : memref<64x128xf32, #tpu.memory_space<vmem>>, vector<1x128xf32>
    tpu.vector_store %arg8[%swap3A_237, %swap3A_238], %slice3A_236 {strides = array<i32>} : memref<64x128xf32, #tpu.memory_space<vmem>>, vector<1x128xf32>,
    %slice3A_240 = vector.extract_strided_slice %add3A_37 {offsets = [0, 6528], sizes = [1, 128], strides = [1, 1]} : vector<1x8192xf32> to vector<1x128xf32>
    %swap3A_241 = arith.constant 51 : index
    %swap3A_242 = arith.constant 0 : index
    %swap3A_243 = vector.load %arg8[%swap3A_241, %swap3A_242] : memref<64x128xf32, #tpu.memory_space<vmem>>, vector<1x128xf32>
    tpu.vector_store %arg8[%swap3A_241, %swap3A_242], %slice3A_240 {strides = array<i32>} : memref<64x128xf32, #tpu.memory_space<vmem>>, vector<1x128xf32>,
    %slice3A_244 = vector.extract_strided_slice %add3A_37 {offsets = [0, 6656], sizes = [1, 128], strides = [1, 1]} : vector<1x8192xf32> to vector<1x128xf32>
    %swap3A_245 = arith.constant 52 : index
    %swap3A_246 = arith.constant 0 : index
    %swap3A_247 = vector.load %arg8[%swap3A_245, %swap3A_246] : memref<64x128xf32, #tpu.memory_space<vmem>>, vector<1x128xf32>
    tpu.vector_store %arg8[%swap3A_245, %swap3A_246], %slice3A_244 {strides = array<i32>} : memref<64x128xf32, #tpu.memory_space<vmem>>, vector<1x128xf32>,
    %slice3A_248 = vector.extract_strided_slice %add3A_37 {offsets = [0, 6784], sizes = [1, 128], strides = [1, 1]} : vector<1x8192xf32> to vector<1x128xf32>
    %swap3A_249 = arith.constant 53 : index
    %swap3A_250 = arith.constant 0 : index
    %swap3A_251 = vector.load %arg8[%swap3A_249, %swap3A_250] : memref<64x128xf32, #tpu.memory_space<vmem>>, vector<1x128xf32>
    tpu.vector_store %arg8[%swap3A_249, %swap3A_250], %slice3A_248 {strides = array<i32>} : memref<64x128xf32, #tpu.memory_space<vmem>>, vector<1x128xf32>,
    %slice3A_252 = vector.extract_strided_slice %add3A_37 {offsets = [0, 6912], sizes = [1, 128], strides = [1, 1]} : vector<1x8192xf32> to vector<1x128xf32>
    %swap3A_253 = arith.constant 54 : index
    %swap3A_254 = arith.constant 0 : index
    %swap3A_255 = vector.load %arg8[%swap3A_253, %swap3A_254] : memref<64x128xf32, #tpu.memory_space<vmem>>, vector<1x128xf32>
    tpu.vector_store %arg8[%swap3A_253, %swap3A_254], %slice3A_252 {strides = array<i32>} : memref<64x128xf32, #tpu.memory_space<vmem>>, vector<1x128xf32>,
    %slice3A_256 = vector.extract_strided_slice %add3A_37 {offsets = [0, 7040], sizes = [1, 128], strides = [1, 1]} : vector<1x8192xf32> to vector<1x128xf32>
    %swap3A_257 = arith.constant 55 : index
    %swap3A_258 = arith.constant 0 : index
    %swap3A_259 = vector.load %arg8[%swap3A_257, %swap3A_258] : memref<64x128xf32, #tpu.memory_space<vmem>>, vector<1x128xf32>
    tpu.vector_store %arg8[%swap3A_257, %swap3A_258], %slice3A_256 {strides = array<i32>} : memref<64x128xf32, #tpu.memory_space<vmem>>, vector<1x128xf32>,
    %slice3A_260 = vector.extract_strided_slice %add3A_37 {offsets = [0, 7168], sizes = [1, 128], strides = [1, 1]} : vector<1x8192xf32> to vector<1x128xf32>
    %swap3A_261 = arith.constant 56 : index
    %swap3A_262 = arith.constant 0 : index
    %swap3A_263 = vector.load %arg8[%swap3A_261, %swap3A_262] : memref<64x128xf32, #tpu.memory_space<vmem>>, vector<1x128xf32>
    tpu.vector_store %arg8[%swap3A_261, %swap3A_262], %slice3A_260 {strides = array<i32>} : memref<64x128xf32, #tpu.memory_space<vmem>>, vector<1x128xf32>,
    %slice3A_264 = vector.extract_strided_slice %add3A_37 {offsets = [0, 7296], sizes = [1, 128], strides = [1, 1]} : vector<1x8192xf32> to vector<1x128xf32>
    %swap3A_265 = arith.constant 57 : index
    %swap3A_266 = arith.constant 0 : index
    %swap3A_267 = vector.load %arg8[%swap3A_265, %swap3A_266] : memref<64x128xf32, #tpu.memory_space<vmem>>, vector<1x128xf32>
    tpu.vector_store %arg8[%swap3A_265, %swap3A_266], %slice3A_264 {strides = array<i32>} : memref<64x128xf32, #tpu.memory_space<vmem>>, vector<1x128xf32>,
    %slice3A_268 = vector.extract_strided_slice %add3A_37 {offsets = [0, 7424], sizes = [1, 128], strides = [1, 1]} : vector<1x8192xf32> to vector<1x128xf32>
    %swap3A_269 = arith.constant 58 : index
    %swap3A_270 = arith.constant 0 : index
    %swap3A_271 = vector.load %arg8[%swap3A_269, %swap3A_270] : memref<64x128xf32, #tpu.memory_space<vmem>>, vector<1x128xf32>
    tpu.vector_store %arg8[%swap3A_269, %swap3A_270], %slice3A_268 {strides = array<i32>} : memref<64x128xf32, #tpu.memory_space<vmem>>, vector<1x128xf32>,
    %slice3A_272 = vector.extract_strided_slice %add3A_37 {offsets = [0, 7552], sizes = [1, 128], strides = [1, 1]} : vector<1x8192xf32> to vector<1x128xf32>
    %swap3A_273 = arith.constant 59 : index
    %swap3A_274 = arith.constant 0 : index
    %swap3A_275 = vector.load %arg8[%swap3A_273, %swap3A_274] : memref<64x128xf32, #tpu.memory_space<vmem>>, vector<1x128xf32>
    tpu.vector_store %arg8[%swap3A_273, %swap3A_274], %slice3A_272 {strides = array<i32>} : memref<64x128xf32, #tpu.memory_space<vmem>>, vector<1x128xf32>,
    %slice3A_276 = vector.extract_strided_slice %add3A_37 {offsets = [0, 7680], sizes = [1, 128], strides = [1, 1]} : vector<1x8192xf32> to vector<1x128xf32>
    %swap3A_277 = arith.constant 60 : index
    %swap3A_278 = arith.constant 0 : index
    %swap3A_279 = vector.load %arg8[%swap3A_277, %swap3A_278] : memref<64x128xf32, #tpu.memory_space<vmem>>, vector<1x128xf32>
    tpu.vector_store %arg8[%swap3A_277, %swap3A_278], %slice3A_276 {strides = array<i32>} : memref<64x128xf32, #tpu.memory_space<vmem>>, vector<1x128xf32>,
    %slice3A_280 = vector.extract_strided_slice %add3A_37 {offsets = [0, 7808], sizes = [1, 128], strides = [1, 1]} : vector<1x8192xf32> to vector<1x128xf32>
    %swap3A_281 = arith.constant 61 : index
    %swap3A_282 = arith.constant 0 : index
    %swap3A_283 = vector.load %arg8[%swap3A_281, %swap3A_282] : memref<64x128xf32, #tpu.memory_space<vmem>>, vector<1x128xf32>
    tpu.vector_store %arg8[%swap3A_281, %swap3A_282], %slice3A_280 {strides = array<i32>} : memref<64x128xf32, #tpu.memory_space<vmem>>, vector<1x128xf32>,
    %slice3A_284 = vector.extract_strided_slice %add3A_37 {offsets = [0, 7936], sizes = [1, 128], strides = [1, 1]} : vector<1x8192xf32> to vector<1x128xf32>
    %swap3A_285 = arith.constant 62 : index
    %swap3A_286 = arith.constant 0 : index
    %swap3A_287 = vector.load %arg8[%swap3A_285, %swap3A_286] : memref<64x128xf32, #tpu.memory_space<vmem>>, vector<1x128xf32>
    tpu.vector_store %arg8[%swap3A_285, %swap3A_286], %slice3A_284 {strides = array<i32>} : memref<64x128xf32, #tpu.memory_space<vmem>>, vector<1x128xf32>,
    %slice3A_288 = vector.extract_strided_slice %add3A_37 {offsets = [0, 8064], sizes = [1, 128], strides = [1, 1]} : vector<1x8192xf32> to vector<1x128xf32>
    %swap3A_289 = arith.constant 63 : index
    %swap3A_290 = arith.constant 0 : index
    %swap3A_291 = vector.load %arg8[%swap3A_289, %swap3A_290] : memref<64x128xf32, #tpu.memory_space<vmem>>, vector<1x128xf32>
    tpu.vector_store %arg8[%swap3A_289, %swap3A_290], %slice3A_288 {strides = array<i32>} : memref<64x128xf32, #tpu.memory_space<vmem>>, vector<1x128xf32>,
    return
  }
  func.func @transform_0(%arg0: i32) -> (i32, i32) {
    %c0_i32 = arith.constant 0 : i32
    %c0_i32_0 = arith.constant 0 : i32
    return %arg0, %c0_i32 : i32, i32
  }
  func.func @transform_1(%arg0: i32) -> (i32, i32) {
    %c0_i32 = arith.constant 0 : i32
    %c0_i32_0 = arith.constant 0 : i32
    %c0_i32_1 = arith.constant 0 : i32
    return %c0_i32, %c0_i32_0 : i32, i32
  }
  func.func @transform_2(%arg0: i32) -> (i32, i32) {
    %c0_i32 = arith.constant 0 : i32
    %c0_i32_0 = arith.constant 0 : i32
    %c0_i32_1 = arith.constant 0 : i32
    return %c0_i32, %c0_i32_0 : i32, i32
  }
  func.func @transform_3(%arg0: i32) -> (i32, i32) {
    %c0_i32 = arith.constant 0 : i32
    %c0_i32_0 = arith.constant 0 : i32
    %c0_i32_1 = arith.constant 0 : i32
    return %c0_i32, %c0_i32_0 : i32, i32
  }
  func.func @transform_4(%arg0: i32) -> (i32, i32) {
    %c0_i32 = arith.constant 0 : i32
    %c0_i32_0 = arith.constant 0 : i32
    %c0_i32_1 = arith.constant 0 : i32
    return %c0_i32, %c0_i32_0 : i32, i32
  }
  func.func @transform_5(%arg0: i32) -> (i32, i32) {
    %c0_i32 = arith.constant 0 : i32
    %c0_i32_0 = arith.constant 0 : i32
    %c0_i32_1 = arith.constant 0 : i32
    return %c0_i32, %c0_i32_0 : i32, i32
  }
  func.func @transform_6(%arg0: i32) -> (i32, i32) {
    %c0_i32 = arith.constant 0 : i32
    %c0_i32_0 = arith.constant 0 : i32
    %c0_i32_1 = arith.constant 0 : i32
    return %c0_i32, %c0_i32_0 : i32, i32
  }
  func.func @transform_7(%arg0: i32) -> (i32, i32) {
    %c0_i32 = arith.constant 0 : i32
    %c0_i32_0 = arith.constant 0 : i32
    return %arg0, %c0_i32 : i32, i32
  }
}

</mosaic_0001>

<sc_bundles>
// kernel: kernel.4.cloned.1.call-start
scs
__scs_entry_jumppad:
0x0: {  	(pc) =	sbr.rel $0x88, $3  }
0x1: {  	(tag) =	ssettag $0x0;
	lr =	simm.s32 $0x1  }
0x2: {  	[smem:$0x3F97] =	sst lr;
	_ =	strace $0xD0000000  }
0x3: {  	_ = 	snop  }
0x4: {  	_ = 	snop  }
0x5: {  	_ = 	snop  }
0x6: {  	_ = 	snop  }
0x7: {  	_ = 	snop  }
__scs_overlays_trampoline_lowered:
0x8: {  	[smem:$0x3FA6] =	sst s0  }
0x9: {  	[smem:$0x3FA7] =	sst s1  }
0xa: {  	[smem:$0x3FA8] =	sst s2  }
0xb: {  	[smem:$0x3FA9] =	sst s3  }
0xc: {  	[smem:$0x3FAA] =	sst s4  }
0xd: {  	[smem:$0x3FAB] =	sst s5  }
0xe: {  	[smem:$0x3FAC] =	sst s6  }
0xf: {  	[smem:$0x3FAD] =	sst s7  }
0x10: {  	[smem:$0x3FAE] =	sst s8  }
0x11: {  	[smem:$0x3FAF] =	sst s9;
	s0 =	simm.s32 @!p0 $0x0  }
0x12: {  	s1 =	sld [smem:$0x3F95];
	s0 =	simm.s32 @p0 $0x1  }
0x13: {  	[smem:$0x3FB0] =	sst s0;
	s0 =	simm.s32 @!p1 $0x0  }
0x14: {  	s2 =	sld [smem:$0x3F94];
	s0 =	simm.s32 @p1 $0x1  }
0x15: {  	[smem:$0x3FB1] =	sst s0;
	s0 =	simm.s32 @!p2 $0x0  }
0x16: {  	s3 =	sld [smem:$0x3FDB];
	s0 =	simm.s32 @p2 $0x1  }
0x17: {  	s4 =	simm.s32 $0x1BF5;
	[smem:$0x3FB3] =	sst s0  }
0x18: {  	s0 =	sld [smem:$0x3F96];
	_ =	swait.ge [sflag:s4], $0x0  }
0x19: {  	s7 =	sld [smem:$0x3F97]  }
0x1a: {  	s8 =	sadd.s32 $0xFFFFE003, lr  }
0x1b: {  	s9 =	sadd.s32 $0xFFFFFEF7, lr;
	s5 =	simm.s32 $0xFFFFFFFF;
	p2 =	slt.u32 s8, $0xFFFFF086  }
0x1c: {  	p1 =	slt.u32 s9, $0xF7A;
	s5 =	simm.s32 @!p2 $0x0  }
0x1d: {  	s5 =	simm.s32 @p1 $0x1;
	p0 =	seq.s32 s7, s2  }
0x1e: {  	s7 =	smul.u32 @!p0 $0xF7A, s2;
	p2 =	seq.s32 @!p0 s5, $0x0  }
0x1f: {  	s9 =	smul.u32 $0xF7A, s1;
	s8 =	simm.s32 @!p0 $0x1BF5;
	p2 =	por !p2, p0  }
0x20: {  	[sflag:s8] =	ssyncset.s32 @!p0 $0xFFFFF086;
	s6 =	sadd.s32 @!p0 s3, s7;
	s7 =	simm.s32 @!p0 $0x108  }
0x21: {  	s3 =	sadd.s32 s3, s9;
	s6 =	sadd.s32 @!p0 $0x88, s6;
	s7 =	simm.s32 @p2 $0x1082  }
0x22: {  	[simem:s7], [sflag:s8] =	dma.local @!p0 [hbm:s6], $0xF7A  }
0x23: {  	s9 =	sor.u32 $0xD0000000, s2;
	s6 =	simm.s32 $0x108;
	_ =	swait.ge @!p0 [sflag:s8], $0x0  }
0x24: {  	s3 =	sadd.s32 $0x88, s3;
	s6 =	simm.s32 @!p1 $0x1082;
	[sflag:s4] =	ssyncset.s32 $0xFFFFF086  }
0x25: {  	[simem:s6], [sflag:s4] =	dma.local [hbm:s3], $0xF7A  }
0x26: {  	[smem:$0x3F97] =	sst s1;
	(tag) =	ssettag s2;
	_ =	strace s9  }
0x27: {  	s1 =	sld [smem:$0x3FA7]  }
0x28: {  	s2 =	sld [smem:$0x3FA8]  }
0x29: {  	s4 =	sld [smem:$0x3FAA]  }
0x2a: {  	p0 =	seq.s32 s5, $0x0;
	s5 =	sld [smem:$0x3FAB]  }
0x2b: {  	s6 =	sld [smem:$0x3FAC]  }
0x2c: {  	s7 =	sld [smem:$0x3FAD]  }
0x2d: {  	s3 =	simm.s32 $0x108;
	s8 =	sld [smem:$0x3FAE]  }
0x2e: {  	s3 =	simm.s32 @!p0 $0x1082;
	s9 =	sld [smem:$0x3FAF]  }
0x2f: {  	lr =	sadd.s32 s0, s3;
	s0 =	sld [smem:$0x3FA6]  }
0x30: {  	s3 =	sld [smem:$0x3FA9]  }
0x31: {  	[smem:$0x3FB2] =	sst s10  }
0x32: {  	s10 =	sld [smem:$0x3FB0];
	_ =	sdelay $0x3  }
0x33: {  	p0 =	seq.s32 s10, $0x1;
	s10 =	sld [smem:$0x3FB2];
	_ =	sdelay $0x3  }
0x34: {  	[smem:$0x3FB2] =	sst s10  }
0x35: {  	s10 =	sld [smem:$0x3FB1];
	_ =	sdelay $0x3  }
0x36: {  	p1 =	seq.s32 s10, $0x1;
	s10 =	sld [smem:$0x3FB2];
	_ =	sdelay $0x3  }
0x37: {  	[smem:$0x3FB2] =	sst s10  }
0x38: {  	s10 =	sld [smem:$0x3FB3]  }
0x39: {  	_ = 	snop;
	(pc) =	sbr.ind lr, $3  }
0x3a: {  	_ = 	snop  }
0x3b: {  	_ = 	snop  }
0x3c: {  	p2 =	seq.s32 s10, $0x1;
	s10 =	sld [smem:$0x3FB2]  }
0x3d: {  	_ =	shalt  }
0x3e: {  	_ =	shalt  }
0x3f: {  	_ =	shalt  }
0x40: {  	_ =	shalt  }
0x41: {  	_ =	shalt  }
0x42: {  	_ =	shalt  }
0x43: {  	_ =	shalt  }
0x44: {  	_ =	shalt  }
0x45: {  	_ =	shalt  }
0x46: {  	_ =	shalt  }
0x47: {  	_ =	shalt  }
0x48: {  	_ =	shalt  }
0x49: {  	_ =	shalt  }
0x4a: {  	_ =	shalt  }
0x4b: {  	_ =	shalt  }
0x4c: {  	_ =	shalt  }
0x4d: {  	_ =	shalt  }
0x4e: {  	_ =	shalt  }
0x4f: {  	_ =	shalt  }
0x50: {  	_ =	shalt  }
0x51: {  	_ =	shalt  }
0x52: {  	_ =	shalt  }
0x53: {  	_ =	shalt  }
0x54: {  	_ =	shalt  }
0x55: {  	_ =	shalt  }
0x56: {  	_ =	shalt  }
0x57: {  	_ =	shalt  }
0x58: {  	_ =	shalt  }
0x59: {  	_ =	shalt  }
0x5a: {  	_ =	shalt  }
0x5b: {  	_ =	shalt  }
0x5c: {  	_ =	shalt  }
0x5d: {  	_ =	shalt  }
0x5e: {  	_ =	shalt  }
0x5f: {  	_ =	shalt  }
0x60: {  	_ =	shalt  }
0x61: {  	_ =	shalt  }
0x62: {  	_ =	shalt  }
0x63: {  	_ =	shalt  }
0x64: {  	_ =	shalt  }
0x65: {  	_ =	shalt  }
0x66: {  	_ =	shalt  }
0x67: {  	_ =	shalt  }
0x68: {  	_ =	shalt  }
0x69: {  	_ =	shalt  }
0x6a: {  	_ =	shalt  }
0x6b: {  	_ =	shalt  }
0x6c: {  	_ =	shalt  }
0x6d: {  	_ =	shalt  }
0x6e: {  	_ =	shalt  }
0x6f: {  	_ =	shalt  }
0x70: {  	_ =	shalt  }
0x71: {  	_ =	shalt  }
0x72: {  	_ =	shalt  }
0x73: {  	_ =	shalt  }
0x74: {  	_ =	shalt  }
0x75: {  	_ =	shalt  }
0x76: {  	_ =	shalt  }
0x77: {  	_ =	shalt  }
0x78: {  	_ =	shalt  }
0x79: {  	_ =	shalt  }
0x7a: {  	_ =	shalt  }
0x7b: {  	_ =	shalt  }
0x7c: {  	_ =	shalt  }
0x7d: {  	_ =	shalt  }
0x7e: {  	_ =	shalt  }
0x7f: {  	_ =	shalt  }
0x80: {  	_ =	shalt  }
0x81: {  	_ =	shalt  }
0x82: {  	_ =	shalt  }
0x83: {  	_ =	shalt  }
0x84: {  	_ =	shalt  }
0x85: {  	_ =	shalt  }
0x86: {  	_ =	shalt  }
0x87: {  	_ =	shalt  }
.Lfunc_end0:
.L_simem_size_0:
called_computation_lowered:
.L_overlay_start_0:
0x88: {  	s2 =	sld [smem:$0x3FD9]  }
0x89: {  	s3 =	sld [smem:$0x3FFE];
	_ =	sdelay $0x1  }
0x8a: {  	s1 =	srdreg.scid  }
0x8b: {  	s0 =	sand.u32 $0x1, s1  }
0x8c: {  	s17 =	sshll.u32 s0, $0xA;
	s2 =	sadd.s32 s3, s2  }
0x8d: {  	s2 =	sadd.s32 s2, s17  }
0x8e: {  	[smem:$0x3FBE] =	sst s2  }
0x8f: {  	_ = 	snop  }
0x90: {  	s2 =	sld [smem:$0x3FC9]  }
0x91: {  	s18 =	sld [smem:$0x3FC8];
	(tm) =	ssettm $0x1  }
0x92: {  	s4 =	sld [smem:$0x3FFB];
	_ =	sdelay $0x3  }
0x93: {  	_ =	strace s4  }
0x94: {  	s4 =	sld [smem:$0x3FFC];
	_ =	sdelay $0x3  }
0x95: {  	_ =	strace s4  }
0x96: {  	s4 =	sld [smem:$0x3FFD];
	_ =	sdelay $0x3  }
0x97: {  	_ =	strace s4  }
0x98: {  	_ =	strace $0x8FFFFFFF  }
0x99: {  	s19 =	sld [smem:$0x3FDB];
	_ =	sdelay $0x1  }
0x9a: {  	s5 =	simm.s32 $_scs_section_size  }
0x9b: {  	s6 =	simm.s32 $_size__tile_overlayer_lowered;
	s7 =	simm.s32 $_tile_overlayer_lowered  }
0x9c: {  	s22 =	simm.s32 $0x1BFF;
	s21 =	sshll.u32 s7, $0x1;
	s4 =	sadd.s32 s5, s19  }
0x9d: {  	s8 =	simm.s32 $0x0;
	s20 =	sshll.u32 s6, $0x1;
	s6 =	sadd.s32 s21, s4  }
0x9e: {  	[timem:s8], [sflag:s22] =	dma.local [hbm:s6], s20  }
0x9f: {  	_ =	swait.ge [sflag:s22], s20  }
0xa0: {  	s5 =	ssub.s32 $0x0, s20;
	[sflag:s22] =	ssyncset.done $0x0  }
0xa1: {  	[sflag:s22] =	ssyncadd.s32 s5;
	_ =	sdelay $0x1  }
0xa2: {  	s23 =	simm.s32 $0x1B8B  }
0xa3: {  	_ =	swait.ge [sflag:s23], $0x1  }
0xa4: {  	[sflag:s23] =	ssyncset.done $0x0  }
0xa5: {  	s25 =	simm.s32 $0x1B8E;
	s24 =	sld [smem:$0x3FFE];
	[sflag:s23] =	ssyncadd.s32 $0xFFFFFFFF  }
0xa6: {  	s26 =	simm.s32 $execute0_lowered;
	[smem:$0x3FD2] =	sst s25  }
0xa7: {  	s6 =	sshll.u32 s26, $0x1;
	_ =	strace $0x80000046;
	[dreg:$0x1] =	wrdreg $0xFFFFFFFF  }
0xa8: {  	s28 =	simm.s32 $_size_execute0_lowered;
	s4 =	sadd.s32 s4, s6;
	[dreg:$0x0] =	wrdreg $0x0  }
0xa9: {  	s6 =	sshll.u32 s28, $0x1;
	[dreg:$0x2] =	wrdreg s4  }
0xaa: {  	[dreg:$0x3] =	wrdreg s6  }
0xab: {  	[dreg:$0x4] =	wrdreg $0xC0  }
0xac: {  	_ =	task [dreg:s8], $0x5FFFF  }
0xad: {  	[dreg:$0x1] =	wrdreg $0xFFFFFFFF  }
0xae: {  	[dreg:$0x0] =	wrdreg $0x60  }
0xaf: {  	[dreg:$0x2] =	wrdreg s24  }
0xb0: {  	[dreg:$0x3] =	wrdreg s2  }
0xb1: {  	[dreg:$0x4] =	wrdreg s18  }
0xb2: {  	[dreg:$0x5] =	wrdreg $0x9  }
0xb3: {  	_ =	task.clear_ibuf [dreg:s8], $0x6FFFF;
	_ =	strace $0x90000046  }
0xb4: {  	s29 =	simm.s32 $0x9;
	_ =	strace $0x80000048  }
0xb5: {  	_ =	swait.ge [sflag:s29], $0x1  }
0xb6: {  	[sflag:s29] =	ssyncadd.s32 $0xFFFFFFFF  }
0xb7: {  	_ =	strace $0x90000048  }
0xb8: {  	_ =	sfence  }
0xb9: {  	s30 =	sld [smem:$0x0];
	_ =	sdelay $0x2  }
0xba: {  	s31 =	sshll.u32 s1, $0xD;
	s1 =	sshrl.u32 s1, $0x2  }
0xbb: {  	s3 =	sand.u32 $0x4000, s31;
	s1 =	sadd.s32 s1, s30  }
0xbc: {  	s0 =	sor.u32 s3, s0;
	s1 =	sshll.u32 s1, $0x11  }
0xbd: {  	s0 =	sor.u32 s1, s0  }
0xbe: {  	s0 =	sadd.s32 $0x8F2B, s0  }
0xbf: {  	[sflag:s0] =	ssyncadd.remote.s32 $0x1  }
0xc0: {  	_ =	sfence.sel $0xFFFF  }
0xc1: {  	[dreg:$0x0] =	wrdreg $0xFFFFFFFF;
	(pc) =	sbr.abs _section_cstart, $3  }
0xc2: {  	[dreg:$0x1] =	wrdreg $0xFFFFFFFF  }
0xc3: {  	_ =	task.clear_ibuf [dreg:s8], $0x2FFFF;
	_ =	strace $0x9FFFFFFF  }
0xc4: {  	(tm) =	ssettm $0x7FFFFFFF  }
0xc5: {  	_ =	shalt  }
tec
execute0_lowered:
.L_overlay_start_1:
0x0: {  	(tag) =	ssettag $0x1  }
0x1: {  	s0 =	rddreg [dreg:$0x0]  }
0x2: {  	s1 =	rddreg [dreg:$0x1]  }
0x3: {  	s2 =	rddreg [dreg:$0x2]  }
0x4: {  	s21 =	rddreg [dreg:$0x3];
	s3 =	simm.s32 $0x0;
	s4 =	srdreg.scid  }
0x5: {  	s5 =	stileid.u32;
	s13 =	simm.s32 $0x200;
	s14 =	simm.s32 $0x280  }
0x6: {  	s15 =	simm.s32 $0x100;
	s16 =	simm.s32 $0x300;
	s17 =	simm.s32 $0x180  }
0x7: {  	s18 =	simm.s32 $0x380;
	s11 =	simm.s32 $0x400;
	p0 =	por $0x0, $0x0  }
0x8: {  	s19 =	simm.s32 $0x2;
	s12 =	simm.s32 $0x3;
	[smem:$0x7FF] =	sst s3  }
0x9: {  	s6 =	sand.u32 $0x1, s4;
	s7 =	sshll.u32 s5, $0xA;
	s4 =	sadd.s32 $0x1200, s0  }
0xa: {  	s5 =	sadd.s32 $0xD000, s0;
	s8 =	sshll.u32 s6, $0x9;
	s6 =	ssub.s32 $0x2, s6  }
0xb: {  	_ =	strace $0x80000047;
	s7 =	sor.u32 s8, s7;
	s20 =	sshrl.u32 s6, $0x1  }
0xc: {  	s8 =	sshll.u32 s7, $0x4;
	s7 =	sshrl.u32 s7, $0x3;
	s6 =	ssub.s32 s6, s20  }
0xd: {  	s20 =	simm.s32 $0x1;
	s0 =	sadd.s32 s8, s0;
	s9 =	sadd.s32 s1, s7  }
0xe: {  	s22 =	sadd.s32 s2, s7;
	s10 =	sor.u32 $0x10, s7;
	s25 =	sor.u32 $0x20, s7  }
0xf: {  	s7 =	sor.u32 $0x30, s7;
	s26 =	smax.u32 s6, $0x1;
	[dreg:$0x4] =	wrdreg s9  }
0x10: {  	s6 =	simm.s32 $0x80;
	[dreg:$0x5] =	wrdreg s22;
	s23 =	sadd.s32 s1, s10  }
0x11: {  	s24 =	sadd.s32 s2, s10;
	s28 =	sadd.s32 s1, s25;
	s29 =	sadd.s32 s2, s25  }
0x12: {  	s30 =	sadd.s32 s1, s7;
	s31 =	sadd.s32 s2, s7;
	p1 =	sne.s32 s26, $0x1  }
.Ltmp0:
0x13: {  	s8 =	sadd.s32 $0x14400, s0;
	s2 =	sadd.s32 $0x14408, s0;
	(pc) =	sbr.rel @!p1 .LBB2_1-.Ltmp0, $4  }
0x14: {  	s7 =	simm.s32 $0x8400;
	s25 =	simm.s32 $0xC400;
	s0 =	sadd.s32 $0xFFFFFFFF, s26  }
0x15: {  	s26 =	simm.s32 $0x6400;
	s22 =	simm.s32 $0xE400;
	[dreg:$0x6] =	wrdreg s23  }
0x16: {  	s10 =	simm.s32 $0x40;
	s9 =	simm.s32 $0x4;
	[dreg:$0x7] =	wrdreg s24  }
0x17: {  	s23 =	simm.s32 $0xA400;
	s24 =	simm.s32 $0x4400;
	s1 =	rddreg [dreg:$0x4]  }
0x18: {  	[tilespmem:s3], [sflag:$0x1] =	stream.linear.gather [hbm4b:s1+s3], $0x80, $0x38;
	[tilespmem:$0x10400] =	vst v63  }
0x19: {  	s21 =	smov.u32 s0;
	s0 =	rddreg [dreg:$0x5]  }
0x1a: {  	[tilespmem:s13], [sflag:$0x1] =	stream.linear.gather [hbm4b:s0+s3], $0x80, $0x38;
	[tilespmem:$0x10400] =	vst v63  }
0x1b: {  	s1 =	rddreg [dreg:$0x6]  }
0x1c: {  	[tilespmem:s6], [sflag:$0x1] =	stream.linear.gather [hbm4b:s1+s3], $0x80, $0x38;
	[tilespmem:$0x10400] =	vst v63  }
0x1d: {  	s0 =	rddreg [dreg:$0x7]  }
0x1e: {  	[tilespmem:s14], [sflag:$0x1] =	stream.linear.gather [hbm4b:s0+s3], $0x80, $0x38;
	[tilespmem:$0x10400] =	vst v63  }
0x1f: {  	_ = 	snop  }
0x20: {  	[tilespmem:s15], [sflag:$0x1] =	stream.linear.gather [hbm4b:s28+s3], $0x80, $0x38;
	[tilespmem:$0x10400] =	vst v63  }
0x21: {  	_ = 	snop  }
0x22: {  	[tilespmem:s16], [sflag:$0x1] =	stream.linear.gather [hbm4b:s29+s3], $0x80, $0x38;
	[tilespmem:$0x10400] =	vst v63  }
0x23: {  	_ = 	snop  }
0x24: {  	[tilespmem:s17], [sflag:$0x1] =	stream.linear.gather [hbm4b:s30+s3], $0x80, $0x38;
	[tilespmem:$0x10400] =	vst v63  }
0x25: {  	_ = 	snop  }
0x26: {  	[tilespmem:s18], [sflag:$0x1] =	stream.linear.gather [hbm4b:s31+s3], $0x80, $0x38;
	[tilespmem:$0x10400] =	vst v63  }
0x27: {  	_ =	swait.ge [sflag:s20], $0x80  }
0x28: {  	[sflag:s20] =	ssyncset.done $0x0  }
0x29: {  	[sflag:s20] =	ssyncadd.s32 $0xFFFFFF80  }
0x2a: {  	_ =	swait.ge [sflag:s20], $0x80  }
0x2b: {  	[sflag:s20] =	ssyncset.done $0x0  }
0x2c: {  	[sflag:s20] =	ssyncadd.s32 $0xFFFFFF80  }
0x2d: {  	_ =	swait.ge [sflag:s20], $0x80  }
0x2e: {  	[sflag:s20] =	ssyncset.done $0x0  }
0x2f: {  	[sflag:s20] =	ssyncadd.s32 $0xFFFFFF80  }
0x30: {  	_ =	swait.ge [sflag:s20], $0x80  }
0x31: {  	[sflag:s20] =	ssyncset.done $0x0  }
0x32: {  	[sflag:s20] =	ssyncadd.s32 $0xFFFFFF80  }
0x33: {  	_ =	swait.ge [sflag:s20], $0x80  }
0x34: {  	[sflag:s20] =	ssyncset.done $0x0  }
0x35: {  	[sflag:s20] =	ssyncadd.s32 $0xFFFFFF80  }
0x36: {  	_ =	swait.ge [sflag:s20], $0x80  }
0x37: {  	[sflag:s20] =	ssyncset.done $0x0  }
0x38: {  	[sflag:s20] =	ssyncadd.s32 $0xFFFFFF80  }
0x39: {  	_ =	swait.ge [sflag:s20], $0x80  }
0x3a: {  	[sflag:s20] =	ssyncset.done $0x0  }
0x3b: {  	[sflag:s20] =	ssyncadd.s32 $0xFFFFFF80  }
0x3c: {  	_ =	swait.ge [sflag:s20], $0x80  }
0x3d: {  	[sflag:s20] =	ssyncset.done $0x0  }
0x3e: {  	[sflag:s20] =	ssyncadd.s32 $0xFFFFFF80  }
0x3f: {  	[tilespmem:s11], [sflag:$0x2] =	stream.indirect.gather [hbm4b:s4+s6], $0x40, s3, s6, $0xb8;
	[tilespmem:$0x10400] =	vst v63  }
0x40: {  	_ = 	snop  }
0x41: {  	[tilespmem:s7], [sflag:$0x3] =	stream.indirect.gather [hbm4b:s5+s6], $0x40, s13, s6, $0xb8;
	[tilespmem:$0x10400] =	vst v63  }
0x42: {  	s1 =	simm.s32 $0x2400  }
0x43: {  	[tilespmem:s1], [sflag:$0x2] =	stream.indirect.gather [hbm4b:s4+s6], $0x40, s6, s6, $0xb8;
	[tilespmem:$0x10400] =	vst v63  }
0x44: {  	_ = 	snop  }
0x45: {  	[tilespmem:s23], [sflag:$0x3] =	stream.indirect.gather [hbm4b:s5+s6], $0x40, s14, s6, $0xb8;
	[tilespmem:$0x10400] =	vst v63  }
0x46: {  	_ = 	snop  }
0x47: {  	[tilespmem:s24], [sflag:$0x2] =	stream.indirect.gather [hbm4b:s4+s6], $0x40, s15, s6, $0xb8;
	[tilespmem:$0x10400] =	vst v63  }
0x48: {  	_ = 	snop  }
0x49: {  	[tilespmem:s25], [sflag:$0x3] =	stream.indirect.gather [hbm4b:s5+s6], $0x40, s16, s6, $0xb8;
	[tilespmem:$0x10400] =	vst v63  }
0x4a: {  	_ = 	snop  }
0x4b: {  	[tilespmem:s26], [sflag:$0x2] =	stream.indirect.gather [hbm4b:s4+s6], $0x40, s17, s6, $0xb8;
	[tilespmem:$0x10400] =	vst v63  }
0x4c: {  	_ = 	snop  }
0x4d: {  	[tilespmem:s22], [sflag:$0x3] =	stream.indirect.gather [hbm4b:s5+s6], $0x40, s18, s6, $0xb8;
	[tilespmem:$0x10400] =	vst v63  }
0x4e: {  	_ =	swait.ge [sflag:s19], $0x2000  }
0x4f: {  	[sflag:s19] =	ssyncset.done $0x0  }
0x50: {  	[sflag:s19] =	ssyncadd.s32 $0xFFFFE000  }
0x51: {  	_ =	swait.ge [sflag:s19], $0x2000  }
0x52: {  	[sflag:s19] =	ssyncset.done $0x0  }
0x53: {  	[sflag:s19] =	ssyncadd.s32 $0xFFFFE000  }
0x54: {  	_ =	swait.ge [sflag:s19], $0x2000  }
0x55: {  	[sflag:s19] =	ssyncset.done $0x0  }
0x56: {  	[sflag:s19] =	ssyncadd.s32 $0xFFFFE000  }
0x57: {  	_ =	swait.ge [sflag:s19], $0x2000  }
0x58: {  	[sflag:s19] =	ssyncset.done $0x0  }
0x59: {  	[sflag:s19] =	ssyncadd.s32 $0xFFFFE000  }
0x5a: {  	[hbm4b:s8+s10] =	stream.strided.scatter [tilespmem:s11], [sflag:$0x4], $0x8000, s6, s10, $0x38;
	[tilespmem:$0x10400] =	vst v63  }
0x5b: {  	_ =	swait.ge [sflag:s12], $0x2000  }
0x5c: {  	[sflag:s12] =	ssyncset.done $0x0  }
0x5d: {  	[sflag:s12] =	ssyncadd.s32 $0xFFFFE000  }
0x5e: {  	_ =	swait.ge [sflag:s12], $0x2000  }
0x5f: {  	[sflag:s12] =	ssyncset.done $0x0  }
0x60: {  	[sflag:s12] =	ssyncadd.s32 $0xFFFFE000  }
0x61: {  	_ =	swait.ge [sflag:s12], $0x2000  }
0x62: {  	[sflag:s12] =	ssyncset.done $0x0  }
0x63: {  	[sflag:s12] =	ssyncadd.s32 $0xFFFFE000  }
0x64: {  	_ =	swait.ge [sflag:s12], $0x2000  }
0x65: {  	[sflag:s12] =	ssyncset.done $0x0  }
0x66: {  	p1 =	sne.s32 s21, $0x1;
	[sflag:s12] =	ssyncadd.s32 $0xFFFFE000  }
0x67: {  	[hbm4b:s2+s10] =	stream.strided.scatter [tilespmem:s7], [sflag:$0x4], $0x8000, s6, s10, $0x38;
	[tilespmem:$0x10400] =	vst v63  }
.Ltmp1:
0x68: {  	_ =	swait.ge [sflag:s9], $0x8000;
	(pc) =	sbr.rel @!p1 .LBB2_3-.Ltmp1, $4  }
0x69: {  	[sflag:s9] =	ssyncset.done $0x0  }
0x6a: {  	[sflag:s9] =	ssyncadd.s32 $0xFFFF8000  }
0x6b: {  	p0 =	por $0x1, $0x1;
	_ =	swait.ge [sflag:s9], $0x8000  }
0x6c: {  	s0 =	sadd.s32 $0xFFFFFFFF, s21;
	s1 =	rddreg [dreg:$0x4];
	[sflag:s9] =	ssyncset.done $0x0  }
.LBB2_4:
0x6d: {  	[sflag:s9] =	ssyncadd.s32 $0xFFFF8000  }
0x6e: {  	[tilespmem:s3], [sflag:$0x1] =	stream.linear.gather [hbm4b:s1+s3], $0x80, $0x38;
	[tilespmem:$0x10400] =	vst v63  }
0x6f: {  	s21 =	rddreg [dreg:$0x5]  }
0x70: {  	[tilespmem:s13], [sflag:$0x1] =	stream.linear.gather [hbm4b:s21+s3], $0x80, $0x38;
	[tilespmem:$0x10400] =	vst v63  }
0x71: {  	s1 =	rddreg [dreg:$0x6]  }
0x72: {  	[tilespmem:s6], [sflag:$0x1] =	stream.linear.gather [hbm4b:s1+s3], $0x80, $0x38;
	[tilespmem:$0x10400] =	vst v63  }
0x73: {  	s21 =	rddreg [dreg:$0x7]  }
0x74: {  	[tilespmem:s14], [sflag:$0x1] =	stream.linear.gather [hbm4b:s21+s3], $0x80, $0x38;
	[tilespmem:$0x10400] =	vst v63  }
0x75: {  	_ = 	snop  }
0x76: {  	[tilespmem:s15], [sflag:$0x1] =	stream.linear.gather [hbm4b:s28+s3], $0x80, $0x38;
	[tilespmem:$0x10400] =	vst v63  }
0x77: {  	_ = 	snop  }
0x78: {  	[tilespmem:s16], [sflag:$0x1] =	stream.linear.gather [hbm4b:s29+s3], $0x80, $0x38;
	[tilespmem:$0x10400] =	vst v63  }
0x79: {  	_ = 	snop  }
0x7a: {  	[tilespmem:s17], [sflag:$0x1] =	stream.linear.gather [hbm4b:s30+s3], $0x80, $0x38;
	[tilespmem:$0x10400] =	vst v63  }
0x7b: {  	_ = 	snop  }
0x7c: {  	[tilespmem:s18], [sflag:$0x1] =	stream.linear.gather [hbm4b:s31+s3], $0x80, $0x38;
	[tilespmem:$0x10400] =	vst v63  }
0x7d: {  	_ =	swait.ge [sflag:s20], $0x80  }
0x7e: {  	[sflag:s20] =	ssyncset.done $0x0  }
0x7f: {  	[sflag:s20] =	ssyncadd.s32 $0xFFFFFF80  }
0x80: {  	_ =	swait.ge [sflag:s20], $0x80  }
0x81: {  	[sflag:s20] =	ssyncset.done $0x0  }
0x82: {  	[sflag:s20] =	ssyncadd.s32 $0xFFFFFF80  }
0x83: {  	_ =	swait.ge [sflag:s20], $0x80  }
0x84: {  	[sflag:s20] =	ssyncset.done $0x0  }
0x85: {  	[sflag:s20] =	ssyncadd.s32 $0xFFFFFF80  }
0x86: {  	_ =	swait.ge [sflag:s20], $0x80  }
0x87: {  	[sflag:s20] =	ssyncset.done $0x0  }
0x88: {  	[sflag:s20] =	ssyncadd.s32 $0xFFFFFF80  }
0x89: {  	_ =	swait.ge [sflag:s20], $0x80  }
0x8a: {  	[sflag:s20] =	ssyncset.done $0x0  }
0x8b: {  	[sflag:s20] =	ssyncadd.s32 $0xFFFFFF80  }
0x8c: {  	_ =	swait.ge [sflag:s20], $0x80  }
0x8d: {  	[sflag:s20] =	ssyncset.done $0x0  }
0x8e: {  	[sflag:s20] =	ssyncadd.s32 $0xFFFFFF80  }
0x8f: {  	_ =	swait.ge [sflag:s20], $0x80  }
0x90: {  	[sflag:s20] =	ssyncset.done $0x0  }
0x91: {  	[sflag:s20] =	ssyncadd.s32 $0xFFFFFF80  }
0x92: {  	_ =	swait.ge [sflag:s20], $0x80  }
0x93: {  	[sflag:s20] =	ssyncset.done $0x0  }
0x94: {  	[sflag:s20] =	ssyncadd.s32 $0xFFFFFF80  }
0x95: {  	[tilespmem:s11], [sflag:$0x2] =	stream.indirect.gather [hbm4b:s4+s6], $0x40, s3, s6, $0xb8;
	[tilespmem:$0x10400] =	vst v63  }
0x96: {  	_ = 	snop  }
0x97: {  	[tilespmem:s7], [sflag:$0x3] =	stream.indirect.gather [hbm4b:s5+s6], $0x40, s13, s6, $0xb8;
	[tilespmem:$0x10400] =	vst v63  }
0x98: {  	s21 =	simm.s32 $0x2400  }
0x99: {  	[tilespmem:s21], [sflag:$0x2] =	stream.indirect.gather [hbm4b:s4+s6], $0x40, s6, s6, $0xb8;
	[tilespmem:$0x10400] =	vst v63  }
0x9a: {  	_ = 	snop  }
0x9b: {  	[tilespmem:s23], [sflag:$0x3] =	stream.indirect.gather [hbm4b:s5+s6], $0x40, s14, s6, $0xb8;
	[tilespmem:$0x10400] =	vst v63  }
0x9c: {  	_ = 	snop  }
0x9d: {  	[tilespmem:s24], [sflag:$0x2] =	stream.indirect.gather [hbm4b:s4+s6], $0x40, s15, s6, $0xb8;
	[tilespmem:$0x10400] =	vst v63  }
0x9e: {  	_ = 	snop  }
0x9f: {  	[tilespmem:s25], [sflag:$0x3] =	stream.indirect.gather [hbm4b:s5+s6], $0x40, s16, s6, $0xb8;
	[tilespmem:$0x10400] =	vst v63  }
0xa0: {  	_ = 	snop  }
0xa1: {  	[tilespmem:s26], [sflag:$0x2] =	stream.indirect.gather [hbm4b:s4+s6], $0x40, s17, s6, $0xb8;
	[tilespmem:$0x10400] =	vst v63  }
0xa2: {  	_ = 	snop  }
0xa3: {  	[tilespmem:s22], [sflag:$0x3] =	stream.indirect.gather [hbm4b:s5+s6], $0x40, s18, s6, $0xb8;
	[tilespmem:$0x10400] =	vst v63  }
0xa4: {  	_ =	swait.ge [sflag:s19], $0x2000  }
0xa5: {  	[sflag:s19] =	ssyncset.done $0x0  }
0xa6: {  	[sflag:s19] =	ssyncadd.s32 $0xFFFFE000  }
0xa7: {  	_ =	swait.ge [sflag:s19], $0x2000  }
0xa8: {  	[sflag:s19] =	ssyncset.done $0x0  }
0xa9: {  	[sflag:s19] =	ssyncadd.s32 $0xFFFFE000  }
0xaa: {  	_ =	swait.ge [sflag:s19], $0x2000  }
0xab: {  	[sflag:s19] =	ssyncset.done $0x0  }
0xac: {  	[sflag:s19] =	ssyncadd.s32 $0xFFFFE000  }
0xad: {  	_ =	swait.ge [sflag:s19], $0x2000  }
0xae: {  	[sflag:s19] =	ssyncset.done $0x0  }
0xaf: {  	[sflag:s19] =	ssyncadd.s32 $0xFFFFE000  }
0xb0: {  	[hbm4b:s8+s10] =	stream.strided.scatter [tilespmem:s11], [sflag:$0x4], $0x8000, s6, s10, $0x38;
	[tilespmem:$0x10400] =	vst v63  }
0xb1: {  	_ =	swait.ge [sflag:s12], $0x2000  }
0xb2: {  	[sflag:s12] =	ssyncset.done $0x0  }
0xb3: {  	[sflag:s12] =	ssyncadd.s32 $0xFFFFE000  }
0xb4: {  	_ =	swait.ge [sflag:s12], $0x2000  }
0xb5: {  	[sflag:s12] =	ssyncset.done $0x0  }
0xb6: {  	[sflag:s12] =	ssyncadd.s32 $0xFFFFE000  }
0xb7: {  	_ =	swait.ge [sflag:s12], $0x2000  }
0xb8: {  	[sflag:s12] =	ssyncset.done $0x0  }
0xb9: {  	[sflag:s12] =	ssyncadd.s32 $0xFFFFE000  }
0xba: {  	_ =	swait.ge [sflag:s12], $0x2000  }
0xbb: {  	[sflag:s12] =	ssyncset.done $0x0  }
0xbc: {  	p1 =	sne.s32 s0, $0x1;
	[sflag:s12] =	ssyncadd.s32 $0xFFFFE000  }
0xbd: {  	[hbm4b:s2+s10] =	stream.strided.scatter [tilespmem:s7], [sflag:$0x4], $0x8000, s6, s10, $0x38;
	[tilespmem:$0x10400] =	vst v63  }
.Ltmp2:
0xbe: {  	_ =	swait.ge [sflag:s9], $0x8000;
	(pc) =	sbr.rel @p1 .LBB2_4-.Ltmp2, $4  }
0xbf: {  	[sflag:s9] =	ssyncset.done $0x0  }
0xc0: {  	[sflag:s9] =	ssyncadd.s32 $0xFFFF8000  }
0xc1: {  	_ =	swait.ge [sflag:s9], $0x8000  }
0xc2: {  	s0 =	sadd.s32 $0xFFFFFFFF, s0;
	s1 =	rddreg [dreg:$0x4];
	[sflag:s9] =	ssyncset.done $0x0  }
0xc3: {  	s26 =	simm.s32 $0x6400;
	s25 =	simm.s32 $0xC400;
	s24 =	simm.s32 $0x4400  }
0xc4: {  	s23 =	simm.s32 $0xA400;
	s22 =	simm.s32 $0x2400;
	s21 =	rddreg [dreg:$0x3]  }
.LBB2_6:
0xc5: {  	[sflag:s9] =	ssyncadd.s32 @p0 $0xFFFF8000  }
0xc6: {  	[tilespmem:s3], [sflag:$0x1] =	stream.linear.gather [hbm4b:s1+s3], $0x80, $0x38;
	[tilespmem:$0x10400] =	vst v63  }
0xc7: {  	s0 =	rddreg [dreg:$0x5]  }
0xc8: {  	[tilespmem:s13], [sflag:$0x1] =	stream.linear.gather [hbm4b:s0+s3], $0x80, $0x38;
	[tilespmem:$0x10400] =	vst v63  }
0xc9: {  	s1 =	rddreg [dreg:$0x6]  }
0xca: {  	[tilespmem:s6], [sflag:$0x1] =	stream.linear.gather [hbm4b:s1+s3], $0x80, $0x38;
	[tilespmem:$0x10400] =	vst v63  }
0xcb: {  	s0 =	rddreg [dreg:$0x7]  }
0xcc: {  	[tilespmem:s14], [sflag:$0x1] =	stream.linear.gather [hbm4b:s0+s3], $0x80, $0x38;
	[tilespmem:$0x10400] =	vst v63  }
0xcd: {  	_ = 	snop  }
0xce: {  	[tilespmem:s15], [sflag:$0x1] =	stream.linear.gather [hbm4b:s28+s3], $0x80, $0x38;
	[tilespmem:$0x10400] =	vst v63  }
0xcf: {  	_ = 	snop  }
0xd0: {  	[tilespmem:s16], [sflag:$0x1] =	stream.linear.gather [hbm4b:s29+s3], $0x80, $0x38;
	[tilespmem:$0x10400] =	vst v63  }
0xd1: {  	_ = 	snop  }
0xd2: {  	[tilespmem:s17], [sflag:$0x1] =	stream.linear.gather [hbm4b:s30+s3], $0x80, $0x38;
	[tilespmem:$0x10400] =	vst v63  }
0xd3: {  	_ = 	snop  }
0xd4: {  	[tilespmem:s18], [sflag:$0x1] =	stream.linear.gather [hbm4b:s31+s3], $0x80, $0x38;
	[tilespmem:$0x10400] =	vst v63  }
0xd5: {  	_ =	swait.ge [sflag:s20], $0x80  }
0xd6: {  	[sflag:s20] =	ssyncset.done $0x0  }
0xd7: {  	[sflag:s20] =	ssyncadd.s32 $0xFFFFFF80  }
0xd8: {  	_ =	swait.ge [sflag:s20], $0x80  }
0xd9: {  	[sflag:s20] =	ssyncset.done $0x0  }
0xda: {  	[sflag:s20] =	ssyncadd.s32 $0xFFFFFF80  }
0xdb: {  	_ =	swait.ge [sflag:s20], $0x80  }
0xdc: {  	[sflag:s20] =	ssyncset.done $0x0  }
0xdd: {  	[sflag:s20] =	ssyncadd.s32 $0xFFFFFF80  }
0xde: {  	_ =	swait.ge [sflag:s20], $0x80  }
0xdf: {  	[sflag:s20] =	ssyncset.done $0x0  }
0xe0: {  	[sflag:s20] =	ssyncadd.s32 $0xFFFFFF80  }
0xe1: {  	_ =	swait.ge [sflag:s20], $0x80  }
0xe2: {  	[sflag:s20] =	ssyncset.done $0x0  }
0xe3: {  	[sflag:s20] =	ssyncadd.s32 $0xFFFFFF80  }
0xe4: {  	_ =	swait.ge [sflag:s20], $0x80  }
0xe5: {  	[sflag:s20] =	ssyncset.done $0x0  }
0xe6: {  	[sflag:s20] =	ssyncadd.s32 $0xFFFFFF80  }
0xe7: {  	_ =	swait.ge [sflag:s20], $0x80  }
0xe8: {  	[sflag:s20] =	ssyncset.done $0x0  }
0xe9: {  	[sflag:s20] =	ssyncadd.s32 $0xFFFFFF80  }
0xea: {  	_ =	swait.ge [sflag:s20], $0x80  }
0xeb: {  	[sflag:s20] =	ssyncset.done $0x0  }
0xec: {  	[sflag:s20] =	ssyncadd.s32 $0xFFFFFF80  }
0xed: {  	[tilespmem:s11], [sflag:$0x2] =	stream.indirect.gather [hbm4b:s4+s6], $0x40, s3, s6, $0xb8;
	[tilespmem:$0x10400] =	vst v63  }
0xee: {  	_ = 	snop  }
0xef: {  	[tilespmem:s7], [sflag:$0x3] =	stream.indirect.gather [hbm4b:s5+s6], $0x40, s13, s6, $0xb8;
	[tilespmem:$0x10400] =	vst v63  }
0xf0: {  	_ = 	snop  }
0xf1: {  	[tilespmem:s22], [sflag:$0x2] =	stream.indirect.gather [hbm4b:s4+s6], $0x40, s6, s6, $0xb8;
	[tilespmem:$0x10400] =	vst v63  }
0xf2: {  	_ = 	snop  }
0xf3: {  	[tilespmem:s23], [sflag:$0x3] =	stream.indirect.gather [hbm4b:s5+s6], $0x40, s14, s6, $0xb8;
	[tilespmem:$0x10400] =	vst v63  }
0xf4: {  	_ = 	snop  }
0xf5: {  	[tilespmem:s24], [sflag:$0x2] =	stream.indirect.gather [hbm4b:s4+s6], $0x40, s15, s6, $0xb8;
	[tilespmem:$0x10400] =	vst v63  }
0xf6: {  	_ = 	snop  }
0xf7: {  	[tilespmem:s25], [sflag:$0x3] =	stream.indirect.gather [hbm4b:s5+s6], $0x40, s16, s6, $0xb8;
	[tilespmem:$0x10400] =	vst v63  }
0xf8: {  	_ = 	snop  }
0xf9: {  	[tilespmem:s26], [sflag:$0x2] =	stream.indirect.gather [hbm4b:s4+s6], $0x40, s17, s6, $0xb8;
	[tilespmem:$0x10400] =	vst v63  }
0xfa: {  	s30 =	simm.s32 $0xE400  }
0xfb: {  	[tilespmem:s30], [sflag:$0x3] =	stream.indirect.gather [hbm4b:s5+s6], $0x40, s18, s6, $0xb8;
	[tilespmem:$0x10400] =	vst v63  }
0xfc: {  	_ =	swait.ge [sflag:s19], $0x2000  }
0xfd: {  	[sflag:s19] =	ssyncset.done $0x0  }
0xfe: {  	[sflag:s19] =	ssyncadd.s32 $0xFFFFE000  }
0xff: {  	_ =	swait.ge [sflag:s19], $0x2000  }
0x100: {  	[sflag:s19] =	ssyncset.done $0x0  }
0x101: {  	[sflag:s19] =	ssyncadd.s32 $0xFFFFE000  }
0x102: {  	_ =	swait.ge [sflag:s19], $0x2000  }
0x103: {  	[sflag:s19] =	ssyncset.done $0x0  }
0x104: {  	[sflag:s19] =	ssyncadd.s32 $0xFFFFE000  }
0x105: {  	_ =	swait.ge [sflag:s19], $0x2000  }
0x106: {  	[sflag:s19] =	ssyncset.done $0x0  }
0x107: {  	[sflag:s19] =	ssyncadd.s32 $0xFFFFE000  }
0x108: {  	[hbm4b:s8+s10] =	stream.strided.scatter [tilespmem:s11], [sflag:$0x4], $0x8000, s6, s10, $0x38;
	[tilespmem:$0x10400] =	vst v63  }
0x109: {  	_ =	swait.ge [sflag:s12], $0x2000  }
0x10a: {  	[sflag:s12] =	ssyncset.done $0x0  }
0x10b: {  	[sflag:s12] =	ssyncadd.s32 $0xFFFFE000  }
0x10c: {  	_ =	swait.ge [sflag:s12], $0x2000  }
0x10d: {  	[sflag:s12] =	ssyncset.done $0x0  }
0x10e: {  	[sflag:s12] =	ssyncadd.s32 $0xFFFFE000  }
0x10f: {  	_ =	swait.ge [sflag:s12], $0x2000  }
0x110: {  	[sflag:s12] =	ssyncset.done $0x0  }
0x111: {  	[sflag:s12] =	ssyncadd.s32 $0xFFFFE000  }
0x112: {  	_ =	swait.ge [sflag:s12], $0x2000  }
0x113: {  	[sflag:s12] =	ssyncset.done $0x0  }
0x114: {  	[sflag:s12] =	ssyncadd.s32 $0xFFFFE000  }
0x115: {  	[hbm4b:s2+s10] =	stream.strided.scatter [tilespmem:s7], [sflag:$0x4], $0x8000, s6, s10, $0x38;
	[tilespmem:$0x10400] =	vst v63  }
0x116: {  	_ =	swait.ge [sflag:s9], $0x8000  }
0x117: {  	[sflag:s9] =	ssyncset.done $0x0  }
0x118: {  	[sflag:s9] =	ssyncadd.s32 $0xFFFF8000  }
0x119: {  	_ =	swait.ge [sflag:s9], $0x8000  }
0x11a: {  	[sflag:s9] =	ssyncset.done $0x0  }
0x11b: {  	[sflag:s9] =	ssyncadd.s32 $0xFFFF8000  }
0x11c: {  	_ =	sfence.sel $0x180000  }
0x11d: {  	s31 =	stileid.u32;
	[bflag:$0x0] =	sbarrier.arrive $0xFFFF  }
0x11e: {  	p0 =	sne.s32 s31, $0x0;
	_ =	strace $0x90000047  }
0x11f: {  	s0 =	sadd.s32 @!p0 $0x100000, s21;
	[bflag:$0x2] =	sbarrier.arrive $0xFFFF  }
0x120: {  	[sflag:s0] =	ssyncadd.tile.s32 @!p0 $0x1;
	_ =	shalt  }
.LBB2_1:
.Ltmp3:
0x121: {  	(pc) =	sbr.rel .LBB2_6-.Ltmp3, $3  }
0x122: {  	_ =	sdelay $0x1  }
0x123: {  	s26 =	simm.s32 $0x6400;
	s25 =	simm.s32 $0xC400  }
0x124: {  	s24 =	simm.s32 $0x4400;
	s23 =	simm.s32 $0xA400;
	s22 =	simm.s32 $0x2400  }
.LBB2_3:
.Ltmp4:
0x125: {  	(pc) =	sbr.rel .LBB2_6-.Ltmp4, $3  }
0x126: {  	_ =	sdelay $0x1  }
0x127: {  	s26 =	simm.s32 $0x6400;
	s25 =	simm.s32 $0xC400;
	s24 =	simm.s32 $0x4400  }
0x128: {  	s23 =	simm.s32 $0xA400;
	s22 =	simm.s32 $0x2400;
	s21 =	rddreg [dreg:$0x3]  }
.Lfunc_end2:
_tile_overlayer_lowered:
.L_overlay_start_2:
0x129: {  	(tag) =	ssettag $0x2  }
0x12a: {  	s0 =	rddreg [dreg:$0x0];
	s2 =	stileid.u32  }
0x12b: {  	s1 =	rddreg [dreg:$0x1];
	p0 =	sne.s32 s2, $0x0  }
0x12c: {  	s3 =	rddreg [dreg:$0x2];
	[bflag:$0x3] =	sbarrier.arrive $0xFFFF;
	s2 =	simm.s32 @!p0 $0x1C05  }
0x12d: {  	[timem:s3], [sflag:s2] =	dma.local @!p0 [hbm:s0], s1  }
0x12e: {  	s0 =	simm.s32 @!p0 $0x5  }
0x12f: {  	_ =	swait.ge @!p0 [sflag:s0], s1  }
0x130: {  	s1 =	ssub.s32 @!p0 $0x0, s1;
	[sflag:s0] =	ssyncset.done @!p0 $0x0  }
0x131: {  	[sflag:s0] =	ssyncadd.s32 @!p0 s1  }
0x132: {  	[bflag:$0x3] =	sbarrier.arrive $0xFFFF  }
0x133: {  	_ =	shalt  }

</sc_bundles>
